<compile_context>
chip_gen: v7x
topology: tpu7x:2x2x1
jax: 0.10.2.dev20260603
libtpu: 0.0.44.dev20260713+nightly
codegen_flags: <defaults>
</compile_context>

<pallas_src>
import functools

import jax
import jax.numpy as jnp
from jax import lax
from jax.experimental import pallas as pl
from jax.experimental.pallas import tpu as pltpu
from jax.experimental.pallas import tpu_sc as plsc

NC = 2
NS = 16
NW = NC * NS
LANES = 16


def _mlp_body(x_ref, w1_ref, b1_ref, w2_ref, b2_ref, o_ref):
    x = x_ref[...]
    h = lax.dot_general(x, w1_ref[...], (((1,), (1,)), ((), ())),
                        preferred_element_type=jnp.float32)
    h = h + b1_ref[...]
    h = jnp.where(h >= 0, h, 0.01 * h)
    o = lax.dot_general(h, w2_ref[...], (((1,), (1,)), ((), ())),
                        preferred_element_type=jnp.float32)
    o_ref[...] = o + b2_ref[...]


def kernel(memory, nodes, W1, b1, W2, b2):
    M, D = memory.shape
    B = nodes.shape[0]
    Hf = W1.shape[0]

    bpw = B // NW
    nodes2 = nodes.reshape(NW, bpw)

    mesh = plsc.VectorSubcoreMesh(core_axis_name="c", subcore_axis_name="s")
    sc_params = pltpu.CompilerParams(needs_layout_passes=False)

    @functools.partial(
        pl.kernel, mesh=mesh, compiler_params=sc_params,
        out_type=jax.ShapeDtypeStruct((B, D), jnp.float32),
        scratch_types=[
            pltpu.VMEM((bpw,), jnp.int32),
            pltpu.VMEM((bpw, D), jnp.float32),
            pltpu.SemaphoreType.DMA,
        ],
    )
    def gather_k(mem_hbm, idx_hbm, sel_hbm, idx_v, rows_v, sem):
        wid = lax.axis_index("s") * NC + lax.axis_index("c")
        pltpu.sync_copy(idx_hbm.at[wid], idx_v)
        lanes = lax.iota(jnp.int32, LANES)

        @pl.loop(0, bpw // LANES)
        def _(c):
            chunk = idx_v[pl.ds(c * LANES, LANES)]
            for lane in range(LANES):
                k = jnp.max(jnp.where(lanes == lane, chunk, 0))
                pltpu.make_async_copy(
                    mem_hbm.at[pl.ds(k, 1)],
                    rows_v.at[pl.ds(c * LANES + lane, 1)],
                    sem,
                ).start()

        @pl.loop(0, bpw)
        def _(i):
            pltpu.make_async_copy(
                mem_hbm.at[pl.ds(0, 1)], rows_v.at[pl.ds(0, 1)], sem
            ).wait()

        pltpu.sync_copy(rows_v, sel_hbm.at[pl.ds(wid * bpw, bpw)])

    @functools.partial(
        pl.kernel, mesh=mesh, compiler_params=sc_params,
        out_type=(),
        scratch_types=[
            pltpu.VMEM((bpw,), jnp.int32),
            pltpu.VMEM((bpw, D), jnp.float32),
            pltpu.SemaphoreType.DMA,
            pltpu.SemaphoreType.DMA,
        ],
    )
    def scatter_k(idx_hbm, rows_hbm, out_hbm, idx_v, rows_v, sem, sem2):
        wid = lax.axis_index("s") * NC + lax.axis_index("c")
        pltpu.sync_copy(idx_hbm.at[wid], idx_v)
        pltpu.sync_copy(rows_hbm.at[pl.ds(wid * bpw, bpw)], rows_v)
        lanes = lax.iota(jnp.int32, LANES)

        @pl.loop(0, bpw // LANES)
        def _(c):
            chunk = idx_v[pl.ds(c * LANES, LANES)]
            for lane in range(LANES):
                k = jnp.max(jnp.where(lanes == lane, chunk, 0))
                pltpu.make_async_copy(
                    rows_v.at[pl.ds(c * LANES + lane, 1)],
                    out_hbm.at[pl.ds(k, 1)],
                    sem2,
                ).start()

        @pl.loop(0, bpw)
        def _(i):
            pltpu.make_async_copy(
                out_hbm.at[pl.ds(0, 1)], rows_v.at[pl.ds(0, 1)], sem2
            ).wait()

    sel = gather_k(memory, nodes2)
    mlp_rows = pl.pallas_call(
        _mlp_body,
        out_shape=jax.ShapeDtypeStruct((B, D), jnp.float32),
    )(sel, W1, b1.reshape(1, Hf), W2, b2.reshape(1, D))

    out_ref = jax.new_ref(memory)
    scatter_k(nodes2, mlp_rows, out_ref)
    return out_ref[...]

# --- scband reference (transcript-rebuilt; emitter-appended) ---
"""Pipeline reference for scband-mlpembedding-23785528885488 (READ-ONLY COPY).

The authoritative reference and input builder live on the scoring server;
editing this copy changes nothing except your own understanding.
"""

import jax, jax.numpy as jnp
import numpy as np

M = 1000000
D = 64      # n_node_features (== mess_dim so scatter-back is shape-consistent)
H = 32      # n_node_features // 2
B = 16384   # number of nodes updated


def _linear_init(key, fan_in, fan_out):
    # mimic torch nn.Linear default init: U(-1/sqrt(fan_in), 1/sqrt(fan_in))
    kw, kb = jax.random.split(key)
    bound = 1.0 / np.sqrt(fan_in)
    W = jax.random.uniform(kw, (fan_out, fan_in), minval=-bound, maxval=bound, dtype=jnp.float32)
    b = jax.random.uniform(kb, (fan_out,), minval=-bound, maxval=bound, dtype=jnp.float32)
    return W, b


def setup_inputs(seed: int = 0) -> dict:
    key = jax.random.key(seed)
    k1, k2, k3, k4 = jax.random.split(key, 4)
    memory = jax.random.normal(k1, (M, D), dtype=jnp.float32)
    nodes = jax.random.randint(k2, (B,), 0, M, dtype=jnp.int32)
    W1, b1 = _linear_init(k3, D, H)
    W2, b2 = _linear_init(k4, H, D)
    return {"memory": memory, "nodes": nodes, "W1": W1, "b1": b1, "W2": W2, "b2": b2}


def reference(memory, nodes, W1, b1, W2, b2):
    # memory = memory.data.clone(); memory[nodes, :] = self.mlp(memory[nodes, :])
    sel = jnp.take(memory, nodes, axis=0)          # gather [B, D]
    h = sel @ W1.T + b1                             # Linear(D -> D//2)
    h = jnp.where(h >= 0, h, 0.01 * h)              # LeakyReLU(negative_slope=0.01)
    out = h @ W2.T + b2                             # Linear(D//2 -> mess_dim == D)
    return memory.at[nodes].set(out)                # scatter-overwrite into cloned memory

if __name__ == "__main__":
    import jax
    _d = setup_inputs()
    print(jax.jit(kernel)(*tuple(_d.values())))

</pallas_src>

<mosaic_0001>
#map = affine_map<(d0, d1) -> (0, 0)>
module attributes {stable_mosaic.version = 14 : i64} {
  func.func @gather_k(%arg0: i32, %arg1: i32, %arg2: memref<1000000x64xf32, #tpu.memory_space<hbm>>, %arg3: memref<32x512xi32, #tpu.memory_space<hbm>>, %arg4: memref<16384x64xf32, #tpu.memory_space<hbm>>, %arg5: memref<512xi32, #tpu.memory_space<vmem>>, %arg6: memref<512x64xf32, #tpu.memory_space<vmem>>, %arg7: memref<!tpu.dma_semaphore, #tpu.memory_space<semaphore_mem>>) attributes {dimension_semantics = [#tpu.dimension_semantics<core_parallel>, #tpu.dimension_semantics<subcore_parallel>], iteration_bounds = array<i64: 2, 16>, scalar_prefetch = 0 : i64, scratch_operands = 3 : i64, tpu.core_type = #tpu.core_type<sc_vector_subcore>, window_params = [{transform_indices = #map}, {transform_indices = #map}, {transform_indices = #map}]} {
    %mul3A = arith.constant 2 : i32
    %mul3A_0 = arith.muli %arg1, %mul3A : i32
    %add3A = arith.addi %mul3A_0, %arg0 : i32
    "tpu.region"() ({
      %run_scoped3A = tpu.sem_alloc : memref<!tpu.dma_semaphore, #tpu.memory_space<semaphore_mem>>
      %dma_start3A = arith.constant 0 : i32
      %dma_start3A_12 = tpu.memref_slice %arg3[%add3A, %dma_start3A] : memref<32x512xi32, #tpu.memory_space<hbm>> -> memref<1x512xi32, #tpu.memory_space<hbm>>
      %dma_start3A_13 = tpu.memref_squeeze %dma_start3A_12 : memref<1x512xi32, #tpu.memory_space<hbm>> -> memref<512xi32, #tpu.memory_space<hbm>>
      %dma_start3A_14 = arith.constant 0 : i32
      %dma_start3A_15 = tpu.memref_slice %arg3[%add3A, %dma_start3A_14] : memref<32x512xi32, #tpu.memory_space<hbm>> -> memref<1x512xi32, #tpu.memory_space<hbm>>
      %dma_start3A_16 = tpu.memref_squeeze %dma_start3A_15 : memref<1x512xi32, #tpu.memory_space<hbm>> -> memref<512xi32, #tpu.memory_space<hbm>>
      tpu.enqueue_dma source(%dma_start3A_16 : memref<512xi32, #tpu.memory_space<hbm>>) target(%arg5 : memref<512xi32, #tpu.memory_space<vmem>>) target_semaphore(%run_scoped3A : memref<!tpu.dma_semaphore, #tpu.memory_space<semaphore_mem>>)
      %dma_wait3A = arith.constant 0 : i32
      %dma_wait3A_17 = tpu.memref_slice %arg3[%add3A, %dma_wait3A] : memref<32x512xi32, #tpu.memory_space<hbm>> -> memref<1x512xi32, #tpu.memory_space<hbm>>
      %dma_wait3A_18 = tpu.memref_squeeze %dma_wait3A_17 : memref<1x512xi32, #tpu.memory_space<hbm>> -> memref<512xi32, #tpu.memory_space<hbm>>
      %dma_wait3A_19 = arith.constant 0 : i32
      %dma_wait3A_20 = tpu.memref_slice %arg3[%add3A, %dma_wait3A_19] : memref<32x512xi32, #tpu.memory_space<hbm>> -> memref<1x512xi32, #tpu.memory_space<hbm>>
      %dma_wait3A_21 = tpu.memref_squeeze %dma_wait3A_20 : memref<1x512xi32, #tpu.memory_space<hbm>> -> memref<512xi32, #tpu.memory_space<hbm>>
      tpu.wait_dma2 semaphore(%run_scoped3A : memref<!tpu.dma_semaphore, #tpu.memory_space<semaphore_mem>>) src(%dma_wait3A_21 : memref<512xi32, #tpu.memory_space<hbm>>) dst(%arg5 : memref<512xi32, #tpu.memory_space<vmem>>)
      tpu.yield
    }) : () -> ()
    %iota3A = tpu.iota {dimensions = array<i32: 0>} : vector<16xi32>
    %scan3A = arith.constant 0 : i32
    %scan3A_1 = arith.constant 32 : i32
    %scan3A_2 = arith.addi %scan3A, %scan3A_1 : i32
    %scan3A_3 = arith.constant 1 : i32
    scf.for %scan3A_12 = %scan3A to %scan3A_2 step %scan3A_3  : i32 {
      %mul3A_13 = arith.constant 1 : i32
      %mul3A_14 = arith.muli %scan3A_12, %mul3A_13 : i32
      %add3A_15 = arith.constant 0 : i32
      %add3A_16 = arith.addi %add3A_15, %mul3A_14 : i32
      %mul3A_17 = arith.constant 16 : i32
      %mul3A_18 = arith.muli %add3A_16, %mul3A_17 : i32
      %get3A = arith.index_cast %mul3A_18 : i32 to index
      %get3A_19 = tpu.vector_load %arg5[%get3A] {strides = array<i32>} : memref<512xi32, #tpu.memory_space<vmem>>, vector<16xi32>,
      %eq3A = arith.constant 0 : i32
      %eq3A_20 = vector.broadcast %eq3A : i32 to vector<16xi32>
      %eq3A_21 = arith.cmpi eq, %iota3A, %eq3A_20 : vector<16xi32>
      %jit3A = arith.constant 0 : i32
      %broadcast_in_dim3A = vector.broadcast %jit3A : i32 to vector<16xi32>
      %select_n3A = arith.select %eq3A_21, %get3A_19, %broadcast_in_dim3A : vector<16xi1>, vector<16xi32>
      %reduce_max3A = arith.constant true
      %reduce_max3A_22 = vector.broadcast %reduce_max3A : i1 to vector<16xi1>
      %reduce_max3A_23 = arith.constant -2147483648 : i32
      %reduce_max3A_24 = vector.broadcast %reduce_max3A_23 : i32 to vector<16xi32>
      %reduce_max3A_25 = arith.xori %select_n3A, %reduce_max3A_24 : vector<16xi32>
      %reduce_max3A_26 = tpu.scan <max>, %reduce_max3A_25 masked %reduce_max3A_22 : vector<16xi32>, vector<16xi1> -> vector<16xi32>
      %reduce_max3A_27 = arith.xori %reduce_max3A_26, %reduce_max3A_24 : vector<16xi32>
      %reduce_max3A_28 = vector.extract %reduce_max3A_27[15] : i32 from vector<16xi32>
      %mul3A_29 = arith.constant 16 : i32
      %mul3A_30 = arith.muli %add3A_16, %mul3A_29 : i32
      %add3A_31 = arith.constant 0 : i32
      %add3A_32 = arith.addi %mul3A_30, %add3A_31 : i32
      %dma_start3A = arith.constant 0 : i32
      %dma_start3A_33 = tpu.memref_slice %arg6[%add3A_32, %dma_start3A] : memref<512x64xf32, #tpu.memory_space<vmem>> -> memref<1x64xf32, #tpu.memory_space<vmem>>
      %dma_start3A_34 = arith.constant 0 : i32
      %dma_start3A_35 = tpu.memref_slice %arg2[%reduce_max3A_28, %dma_start3A_34] : memref<1000000x64xf32, #tpu.memory_space<hbm>> -> memref<1x64xf32, #tpu.memory_space<hbm>>
      %dma_start3A_36 = arith.constant 0 : i32
      %dma_start3A_37 = tpu.memref_slice %arg6[%add3A_32, %dma_start3A_36] : memref<512x64xf32, #tpu.memory_space<vmem>> -> memref<1x64xf32, #tpu.memory_space<vmem>>
      %dma_start3A_38 = arith.constant 0 : i32
      %dma_start3A_39 = tpu.memref_slice %arg2[%reduce_max3A_28, %dma_start3A_38] : memref<1000000x64xf32, #tpu.memory_space<hbm>> -> memref<1x64xf32, #tpu.memory_space<hbm>>
      tpu.enqueue_dma source(%dma_start3A_39 : memref<1x64xf32, #tpu.memory_space<hbm>>) target(%dma_start3A_37 : memref<1x64xf32, #tpu.memory_space<vmem>>) target_semaphore(%arg7 : memref<!tpu.dma_semaphore, #tpu.memory_space<semaphore_mem>>)
      %eq3A_40 = arith.constant 1 : i32
      %eq3A_41 = vector.broadcast %eq3A_40 : i32 to vector<16xi32>
      %eq3A_42 = arith.cmpi eq, %iota3A, %eq3A_41 : vector<16xi32>
      %jit3A_43 = arith.constant 0 : i32
      %broadcast_in_dim3A_44 = vector.broadcast %jit3A_43 : i32 to vector<16xi32>
      %select_n3A_45 = arith.select %eq3A_42, %get3A_19, %broadcast_in_dim3A_44 : vector<16xi1>, vector<16xi32>
      %reduce_max3A_46 = arith.constant true
      %reduce_max3A_47 = vector.broadcast %reduce_max3A_46 : i1 to vector<16xi1>
      %reduce_max3A_48 = arith.constant -2147483648 : i32
      %reduce_max3A_49 = vector.broadcast %reduce_max3A_48 : i32 to vector<16xi32>
      %reduce_max3A_50 = arith.xori %select_n3A_45, %reduce_max3A_49 : vector<16xi32>
      %reduce_max3A_51 = tpu.scan <max>, %reduce_max3A_50 masked %reduce_max3A_47 : vector<16xi32>, vector<16xi1> -> vector<16xi32>
      %reduce_max3A_52 = arith.xori %reduce_max3A_51, %reduce_max3A_49 : vector<16xi32>
      %reduce_max3A_53 = vector.extract %reduce_max3A_52[15] : i32 from vector<16xi32>
      %mul3A_54 = arith.constant 16 : i32
      %mul3A_55 = arith.muli %add3A_16, %mul3A_54 : i32
      %add3A_56 = arith.constant 1 : i32
      %add3A_57 = arith.addi %mul3A_55, %add3A_56 : i32
      %dma_start3A_58 = arith.constant 0 : i32
      %dma_start3A_59 = tpu.memref_slice %arg6[%add3A_57, %dma_start3A_58] : memref<512x64xf32, #tpu.memory_space<vmem>> -> memref<1x64xf32, #tpu.memory_space<vmem>>
      %dma_start3A_60 = arith.constant 0 : i32
      %dma_start3A_61 = tpu.memref_slice %arg2[%reduce_max3A_53, %dma_start3A_60] : memref<1000000x64xf32, #tpu.memory_space<hbm>> -> memref<1x64xf32, #tpu.memory_space<hbm>>
      %dma_start3A_62 = arith.constant 0 : i32
      %dma_start3A_63 = tpu.memref_slice %arg6[%add3A_57, %dma_start3A_62] : memref<512x64xf32, #tpu.memory_space<vmem>> -> memref<1x64xf32, #tpu.memory_space<vmem>>
      %dma_start3A_64 = arith.constant 0 : i32
      %dma_start3A_65 = tpu.memref_slice %arg2[%reduce_max3A_53, %dma_start3A_64] : memref<1000000x64xf32, #tpu.memory_space<hbm>> -> memref<1x64xf32, #tpu.memory_space<hbm>>
      tpu.enqueue_dma source(%dma_start3A_65 : memref<1x64xf32, #tpu.memory_space<hbm>>) target(%dma_start3A_63 : memref<1x64xf32, #tpu.memory_space<vmem>>) target_semaphore(%arg7 : memref<!tpu.dma_semaphore, #tpu.memory_space<semaphore_mem>>)
      %eq3A_66 = arith.constant 2 : i32
      %eq3A_67 = vector.broadcast %eq3A_66 : i32 to vector<16xi32>
      %eq3A_68 = arith.cmpi eq, %iota3A, %eq3A_67 : vector<16xi32>
      %jit3A_69 = arith.constant 0 : i32
      %broadcast_in_dim3A_70 = vector.broadcast %jit3A_69 : i32 to vector<16xi32>
      %select_n3A_71 = arith.select %eq3A_68, %get3A_19, %broadcast_in_dim3A_70 : vector<16xi1>, vector<16xi32>
      %reduce_max3A_72 = arith.constant true
      %reduce_max3A_73 = vector.broadcast %reduce_max3A_72 : i1 to vector<16xi1>
      %reduce_max3A_74 = arith.constant -2147483648 : i32
      %reduce_max3A_75 = vector.broadcast %reduce_max3A_74 : i32 to vector<16xi32>
      %reduce_max3A_76 = arith.xori %select_n3A_71, %reduce_max3A_75 : vector<16xi32>
      %reduce_max3A_77 = tpu.scan <max>, %reduce_max3A_76 masked %reduce_max3A_73 : vector<16xi32>, vector<16xi1> -> vector<16xi32>
      %reduce_max3A_78 = arith.xori %reduce_max3A_77, %reduce_max3A_75 : vector<16xi32>
      %reduce_max3A_79 = vector.extract %reduce_max3A_78[15] : i32 from vector<16xi32>
      %mul3A_80 = arith.constant 16 : i32
      %mul3A_81 = arith.muli %add3A_16, %mul3A_80 : i32
      %add3A_82 = arith.constant 2 : i32
      %add3A_83 = arith.addi %mul3A_81, %add3A_82 : i32
      %dma_start3A_84 = arith.constant 0 : i32
      %dma_start3A_85 = tpu.memref_slice %arg6[%add3A_83, %dma_start3A_84] : memref<512x64xf32, #tpu.memory_space<vmem>> -> memref<1x64xf32, #tpu.memory_space<vmem>>
      %dma_start3A_86 = arith.constant 0 : i32
      %dma_start3A_87 = tpu.memref_slice %arg2[%reduce_max3A_79, %dma_start3A_86] : memref<1000000x64xf32, #tpu.memory_space<hbm>> -> memref<1x64xf32, #tpu.memory_space<hbm>>
      %dma_start3A_88 = arith.constant 0 : i32
      %dma_start3A_89 = tpu.memref_slice %arg6[%add3A_83, %dma_start3A_88] : memref<512x64xf32, #tpu.memory_space<vmem>> -> memref<1x64xf32, #tpu.memory_space<vmem>>
      %dma_start3A_90 = arith.constant 0 : i32
      %dma_start3A_91 = tpu.memref_slice %arg2[%reduce_max3A_79, %dma_start3A_90] : memref<1000000x64xf32, #tpu.memory_space<hbm>> -> memref<1x64xf32, #tpu.memory_space<hbm>>
      tpu.enqueue_dma source(%dma_start3A_91 : memref<1x64xf32, #tpu.memory_space<hbm>>) target(%dma_start3A_89 : memref<1x64xf32, #tpu.memory_space<vmem>>) target_semaphore(%arg7 : memref<!tpu.dma_semaphore, #tpu.memory_space<semaphore_mem>>)
      %eq3A_92 = arith.constant 3 : i32
      %eq3A_93 = vector.broadcast %eq3A_92 : i32 to vector<16xi32>
      %eq3A_94 = arith.cmpi eq, %iota3A, %eq3A_93 : vector<16xi32>
      %jit3A_95 = arith.constant 0 : i32
      %broadcast_in_dim3A_96 = vector.broadcast %jit3A_95 : i32 to vector<16xi32>
      %select_n3A_97 = arith.select %eq3A_94, %get3A_19, %broadcast_in_dim3A_96 : vector<16xi1>, vector<16xi32>
      %reduce_max3A_98 = arith.constant true
      %reduce_max3A_99 = vector.broadcast %reduce_max3A_98 : i1 to vector<16xi1>
      %reduce_max3A_100 = arith.constant -2147483648 : i32
      %reduce_max3A_101 = vector.broadcast %reduce_max3A_100 : i32 to vector<16xi32>
      %reduce_max3A_102 = arith.xori %select_n3A_97, %reduce_max3A_101 : vector<16xi32>
      %reduce_max3A_103 = tpu.scan <max>, %reduce_max3A_102 masked %reduce_max3A_99 : vector<16xi32>, vector<16xi1> -> vector<16xi32>
      %reduce_max3A_104 = arith.xori %reduce_max3A_103, %reduce_max3A_101 : vector<16xi32>
      %reduce_max3A_105 = vector.extract %reduce_max3A_104[15] : i32 from vector<16xi32>
      %mul3A_106 = arith.constant 16 : i32
      %mul3A_107 = arith.muli %add3A_16, %mul3A_106 : i32
      %add3A_108 = arith.constant 3 : i32
      %add3A_109 = arith.addi %mul3A_107, %add3A_108 : i32
      %dma_start3A_110 = arith.constant 0 : i32
      %dma_start3A_111 = tpu.memref_slice %arg6[%add3A_109, %dma_start3A_110] : memref<512x64xf32, #tpu.memory_space<vmem>> -> memref<1x64xf32, #tpu.memory_space<vmem>>
      %dma_start3A_112 = arith.constant 0 : i32
      %dma_start3A_113 = tpu.memref_slice %arg2[%reduce_max3A_105, %dma_start3A_112] : memref<1000000x64xf32, #tpu.memory_space<hbm>> -> memref<1x64xf32, #tpu.memory_space<hbm>>
      %dma_start3A_114 = arith.constant 0 : i32
      %dma_start3A_115 = tpu.memref_slice %arg6[%add3A_109, %dma_start3A_114] : memref<512x64xf32, #tpu.memory_space<vmem>> -> memref<1x64xf32, #tpu.memory_space<vmem>>
      %dma_start3A_116 = arith.constant 0 : i32
      %dma_start3A_117 = tpu.memref_slice %arg2[%reduce_max3A_105, %dma_start3A_116] : memref<1000000x64xf32, #tpu.memory_space<hbm>> -> memref<1x64xf32, #tpu.memory_space<hbm>>
      tpu.enqueue_dma source(%dma_start3A_117 : memref<1x64xf32, #tpu.memory_space<hbm>>) target(%dma_start3A_115 : memref<1x64xf32, #tpu.memory_space<vmem>>) target_semaphore(%arg7 : memref<!tpu.dma_semaphore, #tpu.memory_space<semaphore_mem>>)
      %eq3A_118 = arith.constant 4 : i32
      %eq3A_119 = vector.broadcast %eq3A_118 : i32 to vector<16xi32>
      %eq3A_120 = arith.cmpi eq, %iota3A, %eq3A_119 : vector<16xi32>
      %jit3A_121 = arith.constant 0 : i32
      %broadcast_in_dim3A_122 = vector.broadcast %jit3A_121 : i32 to vector<16xi32>
      %select_n3A_123 = arith.select %eq3A_120, %get3A_19, %broadcast_in_dim3A_122 : vector<16xi1>, vector<16xi32>
      %reduce_max3A_124 = arith.constant true
      %reduce_max3A_125 = vector.broadcast %reduce_max3A_124 : i1 to vector<16xi1>
      %reduce_max3A_126 = arith.constant -2147483648 : i32
      %reduce_max3A_127 = vector.broadcast %reduce_max3A_126 : i32 to vector<16xi32>
      %reduce_max3A_128 = arith.xori %select_n3A_123, %reduce_max3A_127 : vector<16xi32>
      %reduce_max3A_129 = tpu.scan <max>, %reduce_max3A_128 masked %reduce_max3A_125 : vector<16xi32>, vector<16xi1> -> vector<16xi32>
      %reduce_max3A_130 = arith.xori %reduce_max3A_129, %reduce_max3A_127 : vector<16xi32>
      %reduce_max3A_131 = vector.extract %reduce_max3A_130[15] : i32 from vector<16xi32>
      %mul3A_132 = arith.constant 16 : i32
      %mul3A_133 = arith.muli %add3A_16, %mul3A_132 : i32
      %add3A_134 = arith.constant 4 : i32
      %add3A_135 = arith.addi %mul3A_133, %add3A_134 : i32
      %dma_start3A_136 = arith.constant 0 : i32
      %dma_start3A_137 = tpu.memref_slice %arg6[%add3A_135, %dma_start3A_136] : memref<512x64xf32, #tpu.memory_space<vmem>> -> memref<1x64xf32, #tpu.memory_space<vmem>>
      %dma_start3A_138 = arith.constant 0 : i32
      %dma_start3A_139 = tpu.memref_slice %arg2[%reduce_max3A_131, %dma_start3A_138] : memref<1000000x64xf32, #tpu.memory_space<hbm>> -> memref<1x64xf32, #tpu.memory_space<hbm>>
      %dma_start3A_140 = arith.constant 0 : i32
      %dma_start3A_141 = tpu.memref_slice %arg6[%add3A_135, %dma_start3A_140] : memref<512x64xf32, #tpu.memory_space<vmem>> -> memref<1x64xf32, #tpu.memory_space<vmem>>
      %dma_start3A_142 = arith.constant 0 : i32
      %dma_start3A_143 = tpu.memref_slice %arg2[%reduce_max3A_131, %dma_start3A_142] : memref<1000000x64xf32, #tpu.memory_space<hbm>> -> memref<1x64xf32, #tpu.memory_space<hbm>>
      tpu.enqueue_dma source(%dma_start3A_143 : memref<1x64xf32, #tpu.memory_space<hbm>>) target(%dma_start3A_141 : memref<1x64xf32, #tpu.memory_space<vmem>>) target_semaphore(%arg7 : memref<!tpu.dma_semaphore, #tpu.memory_space<semaphore_mem>>)
      %eq3A_144 = arith.constant 5 : i32
      %eq3A_145 = vector.broadcast %eq3A_144 : i32 to vector<16xi32>
      %eq3A_146 = arith.cmpi eq, %iota3A, %eq3A_145 : vector<16xi32>
      %jit3A_147 = arith.constant 0 : i32
      %broadcast_in_dim3A_148 = vector.broadcast %jit3A_147 : i32 to vector<16xi32>
      %select_n3A_149 = arith.select %eq3A_146, %get3A_19, %broadcast_in_dim3A_148 : vector<16xi1>, vector<16xi32>
      %reduce_max3A_150 = arith.constant true
      %reduce_max3A_151 = vector.broadcast %reduce_max3A_150 : i1 to vector<16xi1>
      %reduce_max3A_152 = arith.constant -2147483648 : i32
      %reduce_max3A_153 = vector.broadcast %reduce_max3A_152 : i32 to vector<16xi32>
      %reduce_max3A_154 = arith.xori %select_n3A_149, %reduce_max3A_153 : vector<16xi32>
      %reduce_max3A_155 = tpu.scan <max>, %reduce_max3A_154 masked %reduce_max3A_151 : vector<16xi32>, vector<16xi1> -> vector<16xi32>
      %reduce_max3A_156 = arith.xori %reduce_max3A_155, %reduce_max3A_153 : vector<16xi32>
      %reduce_max3A_157 = vector.extract %reduce_max3A_156[15] : i32 from vector<16xi32>
      %mul3A_158 = arith.constant 16 : i32
      %mul3A_159 = arith.muli %add3A_16, %mul3A_158 : i32
      %add3A_160 = arith.constant 5 : i32
      %add3A_161 = arith.addi %mul3A_159, %add3A_160 : i32
      %dma_start3A_162 = arith.constant 0 : i32
      %dma_start3A_163 = tpu.memref_slice %arg6[%add3A_161, %dma_start3A_162] : memref<512x64xf32, #tpu.memory_space<vmem>> -> memref<1x64xf32, #tpu.memory_space<vmem>>
      %dma_start3A_164 = arith.constant 0 : i32
      %dma_start3A_165 = tpu.memref_slice %arg2[%reduce_max3A_157, %dma_start3A_164] : memref<1000000x64xf32, #tpu.memory_space<hbm>> -> memref<1x64xf32, #tpu.memory_space<hbm>>
      %dma_start3A_166 = arith.constant 0 : i32
      %dma_start3A_167 = tpu.memref_slice %arg6[%add3A_161, %dma_start3A_166] : memref<512x64xf32, #tpu.memory_space<vmem>> -> memref<1x64xf32, #tpu.memory_space<vmem>>
      %dma_start3A_168 = arith.constant 0 : i32
      %dma_start3A_169 = tpu.memref_slice %arg2[%reduce_max3A_157, %dma_start3A_168] : memref<1000000x64xf32, #tpu.memory_space<hbm>> -> memref<1x64xf32, #tpu.memory_space<hbm>>
      tpu.enqueue_dma source(%dma_start3A_169 : memref<1x64xf32, #tpu.memory_space<hbm>>) target(%dma_start3A_167 : memref<1x64xf32, #tpu.memory_space<vmem>>) target_semaphore(%arg7 : memref<!tpu.dma_semaphore, #tpu.memory_space<semaphore_mem>>)
      %eq3A_170 = arith.constant 6 : i32
      %eq3A_171 = vector.broadcast %eq3A_170 : i32 to vector<16xi32>
      %eq3A_172 = arith.cmpi eq, %iota3A, %eq3A_171 : vector<16xi32>
      %jit3A_173 = arith.constant 0 : i32
      %broadcast_in_dim3A_174 = vector.broadcast %jit3A_173 : i32 to vector<16xi32>
      %select_n3A_175 = arith.select %eq3A_172, %get3A_19, %broadcast_in_dim3A_174 : vector<16xi1>, vector<16xi32>
      %reduce_max3A_176 = arith.constant true
      %reduce_max3A_177 = vector.broadcast %reduce_max3A_176 : i1 to vector<16xi1>
      %reduce_max3A_178 = arith.constant -2147483648 : i32
      %reduce_max3A_179 = vector.broadcast %reduce_max3A_178 : i32 to vector<16xi32>
      %reduce_max3A_180 = arith.xori %select_n3A_175, %reduce_max3A_179 : vector<16xi32>
      %reduce_max3A_181 = tpu.scan <max>, %reduce_max3A_180 masked %reduce_max3A_177 : vector<16xi32>, vector<16xi1> -> vector<16xi32>
      %reduce_max3A_182 = arith.xori %reduce_max3A_181, %reduce_max3A_179 : vector<16xi32>
      %reduce_max3A_183 = vector.extract %reduce_max3A_182[15] : i32 from vector<16xi32>
      %mul3A_184 = arith.constant 16 : i32
      %mul3A_185 = arith.muli %add3A_16, %mul3A_184 : i32
      %add3A_186 = arith.constant 6 : i32
      %add3A_187 = arith.addi %mul3A_185, %add3A_186 : i32
      %dma_start3A_188 = arith.constant 0 : i32
      %dma_start3A_189 = tpu.memref_slice %arg6[%add3A_187, %dma_start3A_188] : memref<512x64xf32, #tpu.memory_space<vmem>> -> memref<1x64xf32, #tpu.memory_space<vmem>>
      %dma_start3A_190 = arith.constant 0 : i32
      %dma_start3A_191 = tpu.memref_slice %arg2[%reduce_max3A_183, %dma_start3A_190] : memref<1000000x64xf32, #tpu.memory_space<hbm>> -> memref<1x64xf32, #tpu.memory_space<hbm>>
      %dma_start3A_192 = arith.constant 0 : i32
      %dma_start3A_193 = tpu.memref_slice %arg6[%add3A_187, %dma_start3A_192] : memref<512x64xf32, #tpu.memory_space<vmem>> -> memref<1x64xf32, #tpu.memory_space<vmem>>
      %dma_start3A_194 = arith.constant 0 : i32
      %dma_start3A_195 = tpu.memref_slice %arg2[%reduce_max3A_183, %dma_start3A_194] : memref<1000000x64xf32, #tpu.memory_space<hbm>> -> memref<1x64xf32, #tpu.memory_space<hbm>>
      tpu.enqueue_dma source(%dma_start3A_195 : memref<1x64xf32, #tpu.memory_space<hbm>>) target(%dma_start3A_193 : memref<1x64xf32, #tpu.memory_space<vmem>>) target_semaphore(%arg7 : memref<!tpu.dma_semaphore, #tpu.memory_space<semaphore_mem>>)
      %eq3A_196 = arith.constant 7 : i32
      %eq3A_197 = vector.broadcast %eq3A_196 : i32 to vector<16xi32>
      %eq3A_198 = arith.cmpi eq, %iota3A, %eq3A_197 : vector<16xi32>
      %jit3A_199 = arith.constant 0 : i32
      %broadcast_in_dim3A_200 = vector.broadcast %jit3A_199 : i32 to vector<16xi32>
      %select_n3A_201 = arith.select %eq3A_198, %get3A_19, %broadcast_in_dim3A_200 : vector<16xi1>, vector<16xi32>
      %reduce_max3A_202 = arith.constant true
      %reduce_max3A_203 = vector.broadcast %reduce_max3A_202 : i1 to vector<16xi1>
      %reduce_max3A_204 = arith.constant -2147483648 : i32
      %reduce_max3A_205 = vector.broadcast %reduce_max3A_204 : i32 to vector<16xi32>
      %reduce_max3A_206 = arith.xori %select_n3A_201, %reduce_max3A_205 : vector<16xi32>
      %reduce_max3A_207 = tpu.scan <max>, %reduce_max3A_206 masked %reduce_max3A_203 : vector<16xi32>, vector<16xi1> -> vector<16xi32>
      %reduce_max3A_208 = arith.xori %reduce_max3A_207, %reduce_max3A_205 : vector<16xi32>
      %reduce_max3A_209 = vector.extract %reduce_max3A_208[15] : i32 from vector<16xi32>
      %mul3A_210 = arith.constant 16 : i32
      %mul3A_211 = arith.muli %add3A_16, %mul3A_210 : i32
      %add3A_212 = arith.constant 7 : i32
      %add3A_213 = arith.addi %mul3A_211, %add3A_212 : i32
      %dma_start3A_214 = arith.constant 0 : i32
      %dma_start3A_215 = tpu.memref_slice %arg6[%add3A_213, %dma_start3A_214] : memref<512x64xf32, #tpu.memory_space<vmem>> -> memref<1x64xf32, #tpu.memory_space<vmem>>
      %dma_start3A_216 = arith.constant 0 : i32
      %dma_start3A_217 = tpu.memref_slice %arg2[%reduce_max3A_209, %dma_start3A_216] : memref<1000000x64xf32, #tpu.memory_space<hbm>> -> memref<1x64xf32, #tpu.memory_space<hbm>>
      %dma_start3A_218 = arith.constant 0 : i32
      %dma_start3A_219 = tpu.memref_slice %arg6[%add3A_213, %dma_start3A_218] : memref<512x64xf32, #tpu.memory_space<vmem>> -> memref<1x64xf32, #tpu.memory_space<vmem>>
      %dma_start3A_220 = arith.constant 0 : i32
      %dma_start3A_221 = tpu.memref_slice %arg2[%reduce_max3A_209, %dma_start3A_220] : memref<1000000x64xf32, #tpu.memory_space<hbm>> -> memref<1x64xf32, #tpu.memory_space<hbm>>
      tpu.enqueue_dma source(%dma_start3A_221 : memref<1x64xf32, #tpu.memory_space<hbm>>) target(%dma_start3A_219 : memref<1x64xf32, #tpu.memory_space<vmem>>) target_semaphore(%arg7 : memref<!tpu.dma_semaphore, #tpu.memory_space<semaphore_mem>>)
      %eq3A_222 = arith.constant 8 : i32
      %eq3A_223 = vector.broadcast %eq3A_222 : i32 to vector<16xi32>
      %eq3A_224 = arith.cmpi eq, %iota3A, %eq3A_223 : vector<16xi32>
      %jit3A_225 = arith.constant 0 : i32
      %broadcast_in_dim3A_226 = vector.broadcast %jit3A_225 : i32 to vector<16xi32>
      %select_n3A_227 = arith.select %eq3A_224, %get3A_19, %broadcast_in_dim3A_226 : vector<16xi1>, vector<16xi32>
      %reduce_max3A_228 = arith.constant true
      %reduce_max3A_229 = vector.broadcast %reduce_max3A_228 : i1 to vector<16xi1>
      %reduce_max3A_230 = arith.constant -2147483648 : i32
      %reduce_max3A_231 = vector.broadcast %reduce_max3A_230 : i32 to vector<16xi32>
      %reduce_max3A_232 = arith.xori %select_n3A_227, %reduce_max3A_231 : vector<16xi32>
      %reduce_max3A_233 = tpu.scan <max>, %reduce_max3A_232 masked %reduce_max3A_229 : vector<16xi32>, vector<16xi1> -> vector<16xi32>
      %reduce_max3A_234 = arith.xori %reduce_max3A_233, %reduce_max3A_231 : vector<16xi32>
      %reduce_max3A_235 = vector.extract %reduce_max3A_234[15] : i32 from vector<16xi32>
      %mul3A_236 = arith.constant 16 : i32
      %mul3A_237 = arith.muli %add3A_16, %mul3A_236 : i32
      %add3A_238 = arith.constant 8 : i32
      %add3A_239 = arith.addi %mul3A_237, %add3A_238 : i32
      %dma_start3A_240 = arith.constant 0 : i32
      %dma_start3A_241 = tpu.memref_slice %arg6[%add3A_239, %dma_start3A_240] : memref<512x64xf32, #tpu.memory_space<vmem>> -> memref<1x64xf32, #tpu.memory_space<vmem>>
      %dma_start3A_242 = arith.constant 0 : i32
      %dma_start3A_243 = tpu.memref_slice %arg2[%reduce_max3A_235, %dma_start3A_242] : memref<1000000x64xf32, #tpu.memory_space<hbm>> -> memref<1x64xf32, #tpu.memory_space<hbm>>
      %dma_start3A_244 = arith.constant 0 : i32
      %dma_start3A_245 = tpu.memref_slice %arg6[%add3A_239, %dma_start3A_244] : memref<512x64xf32, #tpu.memory_space<vmem>> -> memref<1x64xf32, #tpu.memory_space<vmem>>
      %dma_start3A_246 = arith.constant 0 : i32
      %dma_start3A_247 = tpu.memref_slice %arg2[%reduce_max3A_235, %dma_start3A_246] : memref<1000000x64xf32, #tpu.memory_space<hbm>> -> memref<1x64xf32, #tpu.memory_space<hbm>>
      tpu.enqueue_dma source(%dma_start3A_247 : memref<1x64xf32, #tpu.memory_space<hbm>>) target(%dma_start3A_245 : memref<1x64xf32, #tpu.memory_space<vmem>>) target_semaphore(%arg7 : memref<!tpu.dma_semaphore, #tpu.memory_space<semaphore_mem>>)
      %eq3A_248 = arith.constant 9 : i32
      %eq3A_249 = vector.broadcast %eq3A_248 : i32 to vector<16xi32>
      %eq3A_250 = arith.cmpi eq, %iota3A, %eq3A_249 : vector<16xi32>
      %jit3A_251 = arith.constant 0 : i32
      %broadcast_in_dim3A_252 = vector.broadcast %jit3A_251 : i32 to vector<16xi32>
      %select_n3A_253 = arith.select %eq3A_250, %get3A_19, %broadcast_in_dim3A_252 : vector<16xi1>, vector<16xi32>
      %reduce_max3A_254 = arith.constant true
      %reduce_max3A_255 = vector.broadcast %reduce_max3A_254 : i1 to vector<16xi1>
      %reduce_max3A_256 = arith.constant -2147483648 : i32
      %reduce_max3A_257 = vector.broadcast %reduce_max3A_256 : i32 to vector<16xi32>
      %reduce_max3A_258 = arith.xori %select_n3A_253, %reduce_max3A_257 : vector<16xi32>
      %reduce_max3A_259 = tpu.scan <max>, %reduce_max3A_258 masked %reduce_max3A_255 : vector<16xi32>, vector<16xi1> -> vector<16xi32>
      %reduce_max3A_260 = arith.xori %reduce_max3A_259, %reduce_max3A_257 : vector<16xi32>
      %reduce_max3A_261 = vector.extract %reduce_max3A_260[15] : i32 from vector<16xi32>
      %mul3A_262 = arith.constant 16 : i32
      %mul3A_263 = arith.muli %add3A_16, %mul3A_262 : i32
      %add3A_264 = arith.constant 9 : i32
      %add3A_265 = arith.addi %mul3A_263, %add3A_264 : i32
      %dma_start3A_266 = arith.constant 0 : i32
      %dma_start3A_267 = tpu.memref_slice %arg6[%add3A_265, %dma_start3A_266] : memref<512x64xf32, #tpu.memory_space<vmem>> -> memref<1x64xf32, #tpu.memory_space<vmem>>
      %dma_start3A_268 = arith.constant 0 : i32
      %dma_start3A_269 = tpu.memref_slice %arg2[%reduce_max3A_261, %dma_start3A_268] : memref<1000000x64xf32, #tpu.memory_space<hbm>> -> memref<1x64xf32, #tpu.memory_space<hbm>>
      %dma_start3A_270 = arith.constant 0 : i32
      %dma_start3A_271 = tpu.memref_slice %arg6[%add3A_265, %dma_start3A_270] : memref<512x64xf32, #tpu.memory_space<vmem>> -> memref<1x64xf32, #tpu.memory_space<vmem>>
      %dma_start3A_272 = arith.constant 0 : i32
      %dma_start3A_273 = tpu.memref_slice %arg2[%reduce_max3A_261, %dma_start3A_272] : memref<1000000x64xf32, #tpu.memory_space<hbm>> -> memref<1x64xf32, #tpu.memory_space<hbm>>
      tpu.enqueue_dma source(%dma_start3A_273 : memref<1x64xf32, #tpu.memory_space<hbm>>) target(%dma_start3A_271 : memref<1x64xf32, #tpu.memory_space<vmem>>) target_semaphore(%arg7 : memref<!tpu.dma_semaphore, #tpu.memory_space<semaphore_mem>>)
      %eq3A_274 = arith.constant 10 : i32
      %eq3A_275 = vector.broadcast %eq3A_274 : i32 to vector<16xi32>
      %eq3A_276 = arith.cmpi eq, %iota3A, %eq3A_275 : vector<16xi32>
      %jit3A_277 = arith.constant 0 : i32
      %broadcast_in_dim3A_278 = vector.broadcast %jit3A_277 : i32 to vector<16xi32>
      %select_n3A_279 = arith.select %eq3A_276, %get3A_19, %broadcast_in_dim3A_278 : vector<16xi1>, vector<16xi32>
      %reduce_max3A_280 = arith.constant true
      %reduce_max3A_281 = vector.broadcast %reduce_max3A_280 : i1 to vector<16xi1>
      %reduce_max3A_282 = arith.constant -2147483648 : i32
      %reduce_max3A_283 = vector.broadcast %reduce_max3A_282 : i32 to vector<16xi32>
      %reduce_max3A_284 = arith.xori %select_n3A_279, %reduce_max3A_283 : vector<16xi32>
      %reduce_max3A_285 = tpu.scan <max>, %reduce_max3A_284 masked %reduce_max3A_281 : vector<16xi32>, vector<16xi1> -> vector<16xi32>
      %reduce_max3A_286 = arith.xori %reduce_max3A_285, %reduce_max3A_283 : vector<16xi32>
      %reduce_max3A_287 = vector.extract %reduce_max3A_286[15] : i32 from vector<16xi32>
      %mul3A_288 = arith.constant 16 : i32
      %mul3A_289 = arith.muli %add3A_16, %mul3A_288 : i32
      %add3A_290 = arith.constant 10 : i32
      %add3A_291 = arith.addi %mul3A_289, %add3A_290 : i32
      %dma_start3A_292 = arith.constant 0 : i32
      %dma_start3A_293 = tpu.memref_slice %arg6[%add3A_291, %dma_start3A_292] : memref<512x64xf32, #tpu.memory_space<vmem>> -> memref<1x64xf32, #tpu.memory_space<vmem>>
      %dma_start3A_294 = arith.constant 0 : i32
      %dma_start3A_295 = tpu.memref_slice %arg2[%reduce_max3A_287, %dma_start3A_294] : memref<1000000x64xf32, #tpu.memory_space<hbm>> -> memref<1x64xf32, #tpu.memory_space<hbm>>
      %dma_start3A_296 = arith.constant 0 : i32
      %dma_start3A_297 = tpu.memref_slice %arg6[%add3A_291, %dma_start3A_296] : memref<512x64xf32, #tpu.memory_space<vmem>> -> memref<1x64xf32, #tpu.memory_space<vmem>>
      %dma_start3A_298 = arith.constant 0 : i32
      %dma_start3A_299 = tpu.memref_slice %arg2[%reduce_max3A_287, %dma_start3A_298] : memref<1000000x64xf32, #tpu.memory_space<hbm>> -> memref<1x64xf32, #tpu.memory_space<hbm>>
      tpu.enqueue_dma source(%dma_start3A_299 : memref<1x64xf32, #tpu.memory_space<hbm>>) target(%dma_start3A_297 : memref<1x64xf32, #tpu.memory_space<vmem>>) target_semaphore(%arg7 : memref<!tpu.dma_semaphore, #tpu.memory_space<semaphore_mem>>)
      %eq3A_300 = arith.constant 11 : i32
      %eq3A_301 = vector.broadcast %eq3A_300 : i32 to vector<16xi32>
      %eq3A_302 = arith.cmpi eq, %iota3A, %eq3A_301 : vector<16xi32>
      %jit3A_303 = arith.constant 0 : i32
      %broadcast_in_dim3A_304 = vector.broadcast %jit3A_303 : i32 to vector<16xi32>
      %select_n3A_305 = arith.select %eq3A_302, %get3A_19, %broadcast_in_dim3A_304 : vector<16xi1>, vector<16xi32>
      %reduce_max3A_306 = arith.constant true
      %reduce_max3A_307 = vector.broadcast %reduce_max3A_306 : i1 to vector<16xi1>
      %reduce_max3A_308 = arith.constant -2147483648 : i32
      %reduce_max3A_309 = vector.broadcast %reduce_max3A_308 : i32 to vector<16xi32>
      %reduce_max3A_310 = arith.xori %select_n3A_305, %reduce_max3A_309 : vector<16xi32>
      %reduce_max3A_311 = tpu.scan <max>, %reduce_max3A_310 masked %reduce_max3A_307 : vector<16xi32>, vector<16xi1> -> vector<16xi32>
      %reduce_max3A_312 = arith.xori %reduce_max3A_311, %reduce_max3A_309 : vector<16xi32>
      %reduce_max3A_313 = vector.extract %reduce_max3A_312[15] : i32 from vector<16xi32>
      %mul3A_314 = arith.constant 16 : i32
      %mul3A_315 = arith.muli %add3A_16, %mul3A_314 : i32
      %add3A_316 = arith.constant 11 : i32
      %add3A_317 = arith.addi %mul3A_315, %add3A_316 : i32
      %dma_start3A_318 = arith.constant 0 : i32
      %dma_start3A_319 = tpu.memref_slice %arg6[%add3A_317, %dma_start3A_318] : memref<512x64xf32, #tpu.memory_space<vmem>> -> memref<1x64xf32, #tpu.memory_space<vmem>>
      %dma_start3A_320 = arith.constant 0 : i32
      %dma_start3A_321 = tpu.memref_slice %arg2[%reduce_max3A_313, %dma_start3A_320] : memref<1000000x64xf32, #tpu.memory_space<hbm>> -> memref<1x64xf32, #tpu.memory_space<hbm>>
      %dma_start3A_322 = arith.constant 0 : i32
      %dma_start3A_323 = tpu.memref_slice %arg6[%add3A_317, %dma_start3A_322] : memref<512x64xf32, #tpu.memory_space<vmem>> -> memref<1x64xf32, #tpu.memory_space<vmem>>
      %dma_start3A_324 = arith.constant 0 : i32
      %dma_start3A_325 = tpu.memref_slice %arg2[%reduce_max3A_313, %dma_start3A_324] : memref<1000000x64xf32, #tpu.memory_space<hbm>> -> memref<1x64xf32, #tpu.memory_space<hbm>>
      tpu.enqueue_dma source(%dma_start3A_325 : memref<1x64xf32, #tpu.memory_space<hbm>>) target(%dma_start3A_323 : memref<1x64xf32, #tpu.memory_space<vmem>>) target_semaphore(%arg7 : memref<!tpu.dma_semaphore, #tpu.memory_space<semaphore_mem>>)
      %eq3A_326 = arith.constant 12 : i32
      %eq3A_327 = vector.broadcast %eq3A_326 : i32 to vector<16xi32>
      %eq3A_328 = arith.cmpi eq, %iota3A, %eq3A_327 : vector<16xi32>
      %jit3A_329 = arith.constant 0 : i32
      %broadcast_in_dim3A_330 = vector.broadcast %jit3A_329 : i32 to vector<16xi32>
      %select_n3A_331 = arith.select %eq3A_328, %get3A_19, %broadcast_in_dim3A_330 : vector<16xi1>, vector<16xi32>
      %reduce_max3A_332 = arith.constant true
      %reduce_max3A_333 = vector.broadcast %reduce_max3A_332 : i1 to vector<16xi1>
      %reduce_max3A_334 = arith.constant -2147483648 : i32
      %reduce_max3A_335 = vector.broadcast %reduce_max3A_334 : i32 to vector<16xi32>
      %reduce_max3A_336 = arith.xori %select_n3A_331, %reduce_max3A_335 : vector<16xi32>
      %reduce_max3A_337 = tpu.scan <max>, %reduce_max3A_336 masked %reduce_max3A_333 : vector<16xi32>, vector<16xi1> -> vector<16xi32>
      %reduce_max3A_338 = arith.xori %reduce_max3A_337, %reduce_max3A_335 : vector<16xi32>
      %reduce_max3A_339 = vector.extract %reduce_max3A_338[15] : i32 from vector<16xi32>
      %mul3A_340 = arith.constant 16 : i32
      %mul3A_341 = arith.muli %add3A_16, %mul3A_340 : i32
      %add3A_342 = arith.constant 12 : i32
      %add3A_343 = arith.addi %mul3A_341, %add3A_342 : i32
      %dma_start3A_344 = arith.constant 0 : i32
      %dma_start3A_345 = tpu.memref_slice %arg6[%add3A_343, %dma_start3A_344] : memref<512x64xf32, #tpu.memory_space<vmem>> -> memref<1x64xf32, #tpu.memory_space<vmem>>
      %dma_start3A_346 = arith.constant 0 : i32
      %dma_start3A_347 = tpu.memref_slice %arg2[%reduce_max3A_339, %dma_start3A_346] : memref<1000000x64xf32, #tpu.memory_space<hbm>> -> memref<1x64xf32, #tpu.memory_space<hbm>>
      %dma_start3A_348 = arith.constant 0 : i32
      %dma_start3A_349 = tpu.memref_slice %arg6[%add3A_343, %dma_start3A_348] : memref<512x64xf32, #tpu.memory_space<vmem>> -> memref<1x64xf32, #tpu.memory_space<vmem>>
      %dma_start3A_350 = arith.constant 0 : i32
      %dma_start3A_351 = tpu.memref_slice %arg2[%reduce_max3A_339, %dma_start3A_350] : memref<1000000x64xf32, #tpu.memory_space<hbm>> -> memref<1x64xf32, #tpu.memory_space<hbm>>
      tpu.enqueue_dma source(%dma_start3A_351 : memref<1x64xf32, #tpu.memory_space<hbm>>) target(%dma_start3A_349 : memref<1x64xf32, #tpu.memory_space<vmem>>) target_semaphore(%arg7 : memref<!tpu.dma_semaphore, #tpu.memory_space<semaphore_mem>>)
      %eq3A_352 = arith.constant 13 : i32
      %eq3A_353 = vector.broadcast %eq3A_352 : i32 to vector<16xi32>
      %eq3A_354 = arith.cmpi eq, %iota3A, %eq3A_353 : vector<16xi32>
      %jit3A_355 = arith.constant 0 : i32
      %broadcast_in_dim3A_356 = vector.broadcast %jit3A_355 : i32 to vector<16xi32>
      %select_n3A_357 = arith.select %eq3A_354, %get3A_19, %broadcast_in_dim3A_356 : vector<16xi1>, vector<16xi32>
      %reduce_max3A_358 = arith.constant true
      %reduce_max3A_359 = vector.broadcast %reduce_max3A_358 : i1 to vector<16xi1>
      %reduce_max3A_360 = arith.constant -2147483648 : i32
      %reduce_max3A_361 = vector.broadcast %reduce_max3A_360 : i32 to vector<16xi32>
      %reduce_max3A_362 = arith.xori %select_n3A_357, %reduce_max3A_361 : vector<16xi32>
      %reduce_max3A_363 = tpu.scan <max>, %reduce_max3A_362 masked %reduce_max3A_359 : vector<16xi32>, vector<16xi1> -> vector<16xi32>
      %reduce_max3A_364 = arith.xori %reduce_max3A_363, %reduce_max3A_361 : vector<16xi32>
      %reduce_max3A_365 = vector.extract %reduce_max3A_364[15] : i32 from vector<16xi32>
      %mul3A_366 = arith.constant 16 : i32
      %mul3A_367 = arith.muli %add3A_16, %mul3A_366 : i32
      %add3A_368 = arith.constant 13 : i32
      %add3A_369 = arith.addi %mul3A_367, %add3A_368 : i32
      %dma_start3A_370 = arith.constant 0 : i32
      %dma_start3A_371 = tpu.memref_slice %arg6[%add3A_369, %dma_start3A_370] : memref<512x64xf32, #tpu.memory_space<vmem>> -> memref<1x64xf32, #tpu.memory_space<vmem>>
      %dma_start3A_372 = arith.constant 0 : i32
      %dma_start3A_373 = tpu.memref_slice %arg2[%reduce_max3A_365, %dma_start3A_372] : memref<1000000x64xf32, #tpu.memory_space<hbm>> -> memref<1x64xf32, #tpu.memory_space<hbm>>
      %dma_start3A_374 = arith.constant 0 : i32
      %dma_start3A_375 = tpu.memref_slice %arg6[%add3A_369, %dma_start3A_374] : memref<512x64xf32, #tpu.memory_space<vmem>> -> memref<1x64xf32, #tpu.memory_space<vmem>>
      %dma_start3A_376 = arith.constant 0 : i32
      %dma_start3A_377 = tpu.memref_slice %arg2[%reduce_max3A_365, %dma_start3A_376] : memref<1000000x64xf32, #tpu.memory_space<hbm>> -> memref<1x64xf32, #tpu.memory_space<hbm>>
      tpu.enqueue_dma source(%dma_start3A_377 : memref<1x64xf32, #tpu.memory_space<hbm>>) target(%dma_start3A_375 : memref<1x64xf32, #tpu.memory_space<vmem>>) target_semaphore(%arg7 : memref<!tpu.dma_semaphore, #tpu.memory_space<semaphore_mem>>)
      %eq3A_378 = arith.constant 14 : i32
      %eq3A_379 = vector.broadcast %eq3A_378 : i32 to vector<16xi32>
      %eq3A_380 = arith.cmpi eq, %iota3A, %eq3A_379 : vector<16xi32>
      %jit3A_381 = arith.constant 0 : i32
      %broadcast_in_dim3A_382 = vector.broadcast %jit3A_381 : i32 to vector<16xi32>
      %select_n3A_383 = arith.select %eq3A_380, %get3A_19, %broadcast_in_dim3A_382 : vector<16xi1>, vector<16xi32>
      %reduce_max3A_384 = arith.constant true
      %reduce_max3A_385 = vector.broadcast %reduce_max3A_384 : i1 to vector<16xi1>
      %reduce_max3A_386 = arith.constant -2147483648 : i32
      %reduce_max3A_387 = vector.broadcast %reduce_max3A_386 : i32 to vector<16xi32>
      %reduce_max3A_388 = arith.xori %select_n3A_383, %reduce_max3A_387 : vector<16xi32>
      %reduce_max3A_389 = tpu.scan <max>, %reduce_max3A_388 masked %reduce_max3A_385 : vector<16xi32>, vector<16xi1> -> vector<16xi32>
      %reduce_max3A_390 = arith.xori %reduce_max3A_389, %reduce_max3A_387 : vector<16xi32>
      %reduce_max3A_391 = vector.extract %reduce_max3A_390[15] : i32 from vector<16xi32>
      %mul3A_392 = arith.constant 16 : i32
      %mul3A_393 = arith.muli %add3A_16, %mul3A_392 : i32
      %add3A_394 = arith.constant 14 : i32
      %add3A_395 = arith.addi %mul3A_393, %add3A_394 : i32
      %dma_start3A_396 = arith.constant 0 : i32
      %dma_start3A_397 = tpu.memref_slice %arg6[%add3A_395, %dma_start3A_396] : memref<512x64xf32, #tpu.memory_space<vmem>> -> memref<1x64xf32, #tpu.memory_space<vmem>>
      %dma_start3A_398 = arith.constant 0 : i32
      %dma_start3A_399 = tpu.memref_slice %arg2[%reduce_max3A_391, %dma_start3A_398] : memref<1000000x64xf32, #tpu.memory_space<hbm>> -> memref<1x64xf32, #tpu.memory_space<hbm>>
      %dma_start3A_400 = arith.constant 0 : i32
      %dma_start3A_401 = tpu.memref_slice %arg6[%add3A_395, %dma_start3A_400] : memref<512x64xf32, #tpu.memory_space<vmem>> -> memref<1x64xf32, #tpu.memory_space<vmem>>
      %dma_start3A_402 = arith.constant 0 : i32
      %dma_start3A_403 = tpu.memref_slice %arg2[%reduce_max3A_391, %dma_start3A_402] : memref<1000000x64xf32, #tpu.memory_space<hbm>> -> memref<1x64xf32, #tpu.memory_space<hbm>>
      tpu.enqueue_dma source(%dma_start3A_403 : memref<1x64xf32, #tpu.memory_space<hbm>>) target(%dma_start3A_401 : memref<1x64xf32, #tpu.memory_space<vmem>>) target_semaphore(%arg7 : memref<!tpu.dma_semaphore, #tpu.memory_space<semaphore_mem>>)
      %eq3A_404 = arith.constant 15 : i32
      %eq3A_405 = vector.broadcast %eq3A_404 : i32 to vector<16xi32>
      %eq3A_406 = arith.cmpi eq, %iota3A, %eq3A_405 : vector<16xi32>
      %jit3A_407 = arith.constant 0 : i32
      %broadcast_in_dim3A_408 = vector.broadcast %jit3A_407 : i32 to vector<16xi32>
      %select_n3A_409 = arith.select %eq3A_406, %get3A_19, %broadcast_in_dim3A_408 : vector<16xi1>, vector<16xi32>
      %reduce_max3A_410 = arith.constant true
      %reduce_max3A_411 = vector.broadcast %reduce_max3A_410 : i1 to vector<16xi1>
      %reduce_max3A_412 = arith.constant -2147483648 : i32
      %reduce_max3A_413 = vector.broadcast %reduce_max3A_412 : i32 to vector<16xi32>
      %reduce_max3A_414 = arith.xori %select_n3A_409, %reduce_max3A_413 : vector<16xi32>
      %reduce_max3A_415 = tpu.scan <max>, %reduce_max3A_414 masked %reduce_max3A_411 : vector<16xi32>, vector<16xi1> -> vector<16xi32>
      %reduce_max3A_416 = arith.xori %reduce_max3A_415, %reduce_max3A_413 : vector<16xi32>
      %reduce_max3A_417 = vector.extract %reduce_max3A_416[15] : i32 from vector<16xi32>
      %mul3A_418 = arith.constant 16 : i32
      %mul3A_419 = arith.muli %add3A_16, %mul3A_418 : i32
      %add3A_420 = arith.constant 15 : i32
      %add3A_421 = arith.addi %mul3A_419, %add3A_420 : i32
      %dma_start3A_422 = arith.constant 0 : i32
      %dma_start3A_423 = tpu.memref_slice %arg6[%add3A_421, %dma_start3A_422] : memref<512x64xf32, #tpu.memory_space<vmem>> -> memref<1x64xf32, #tpu.memory_space<vmem>>
      %dma_start3A_424 = arith.constant 0 : i32
      %dma_start3A_425 = tpu.memref_slice %arg2[%reduce_max3A_417, %dma_start3A_424] : memref<1000000x64xf32, #tpu.memory_space<hbm>> -> memref<1x64xf32, #tpu.memory_space<hbm>>
      %dma_start3A_426 = arith.constant 0 : i32
      %dma_start3A_427 = tpu.memref_slice %arg6[%add3A_421, %dma_start3A_426] : memref<512x64xf32, #tpu.memory_space<vmem>> -> memref<1x64xf32, #tpu.memory_space<vmem>>
      %dma_start3A_428 = arith.constant 0 : i32
      %dma_start3A_429 = tpu.memref_slice %arg2[%reduce_max3A_417, %dma_start3A_428] : memref<1000000x64xf32, #tpu.memory_space<hbm>> -> memref<1x64xf32, #tpu.memory_space<hbm>>
      tpu.enqueue_dma source(%dma_start3A_429 : memref<1x64xf32, #tpu.memory_space<hbm>>) target(%dma_start3A_427 : memref<1x64xf32, #tpu.memory_space<vmem>>) target_semaphore(%arg7 : memref<!tpu.dma_semaphore, #tpu.memory_space<semaphore_mem>>)
    }
    %scan3A_4 = arith.constant 32 : i32
    %scan3A_5 = arith.constant 0 : i32
    %scan3A_6 = arith.constant 512 : i32
    %scan3A_7 = arith.addi %scan3A_5, %scan3A_6 : i32
    %scan3A_8 = arith.constant 1 : i32
    scf.for %scan3A_12 = %scan3A_5 to %scan3A_7 step %scan3A_8  : i32 {
      %mul3A_13 = arith.constant 1 : i32
      %mul3A_14 = arith.muli %scan3A_12, %mul3A_13 : i32
      %add3A_15 = arith.constant 0 : i32
      %add3A_16 = arith.addi %add3A_15, %mul3A_14 : i32
      %dma_wait3A = arith.constant 0 : i32
      %dma_wait3A_17 = arith.constant 0 : i32
      %dma_wait3A_18 = tpu.memref_slice %arg6[%dma_wait3A, %dma_wait3A_17] : memref<512x64xf32, #tpu.memory_space<vmem>> -> memref<1x64xf32, #tpu.memory_space<vmem>>
      %dma_wait3A_19 = arith.constant 0 : i32
      %dma_wait3A_20 = arith.constant 0 : i32
      %dma_wait3A_21 = tpu.memref_slice %arg2[%dma_wait3A_19, %dma_wait3A_20] : memref<1000000x64xf32, #tpu.memory_space<hbm>> -> memref<1x64xf32, #tpu.memory_space<hbm>>
      %dma_wait3A_22 = arith.constant 0 : i32
      %dma_wait3A_23 = arith.constant 0 : i32
      %dma_wait3A_24 = tpu.memref_slice %arg6[%dma_wait3A_22, %dma_wait3A_23] : memref<512x64xf32, #tpu.memory_space<vmem>> -> memref<1x64xf32, #tpu.memory_space<vmem>>
      %dma_wait3A_25 = arith.constant 0 : i32
      %dma_wait3A_26 = arith.constant 0 : i32
      %dma_wait3A_27 = tpu.memref_slice %arg2[%dma_wait3A_25, %dma_wait3A_26] : memref<1000000x64xf32, #tpu.memory_space<hbm>> -> memref<1x64xf32, #tpu.memory_space<hbm>>
      tpu.wait_dma2 semaphore(%arg7 : memref<!tpu.dma_semaphore, #tpu.memory_space<semaphore_mem>>) src(%dma_wait3A_27 : memref<1x64xf32, #tpu.memory_space<hbm>>) dst(%dma_wait3A_24 : memref<1x64xf32, #tpu.memory_space<vmem>>)
    }
    %scan3A_9 = arith.constant 512 : i32
    %mul3A_10 = arith.constant 512 : i32
    %mul3A_11 = arith.muli %add3A, %mul3A_10 : i32
    "tpu.region"() ({
      %run_scoped3A = tpu.sem_alloc : memref<!tpu.dma_semaphore, #tpu.memory_space<semaphore_mem>>
      %dma_start3A = arith.constant 0 : i32
      %dma_start3A_12 = tpu.memref_slice %arg4[%mul3A_11, %dma_start3A] : memref<16384x64xf32, #tpu.memory_space<hbm>> -> memref<512x64xf32, #tpu.memory_space<hbm>>
      %dma_start3A_13 = arith.constant 0 : i32
      %dma_start3A_14 = tpu.memref_slice %arg4[%mul3A_11, %dma_start3A_13] : memref<16384x64xf32, #tpu.memory_space<hbm>> -> memref<512x64xf32, #tpu.memory_space<hbm>>
      tpu.enqueue_dma source(%arg6 : memref<512x64xf32, #tpu.memory_space<vmem>>) target(%dma_start3A_14 : memref<512x64xf32, #tpu.memory_space<hbm>>) target_semaphore(%run_scoped3A : memref<!tpu.dma_semaphore, #tpu.memory_space<semaphore_mem>>)
      %dma_wait3A = arith.constant 0 : i32
      %dma_wait3A_15 = tpu.memref_slice %arg4[%mul3A_11, %dma_wait3A] : memref<16384x64xf32, #tpu.memory_space<hbm>> -> memref<512x64xf32, #tpu.memory_space<hbm>>
      %dma_wait3A_16 = arith.constant 0 : i32
      %dma_wait3A_17 = tpu.memref_slice %arg4[%mul3A_11, %dma_wait3A_16] : memref<16384x64xf32, #tpu.memory_space<hbm>> -> memref<512x64xf32, #tpu.memory_space<hbm>>
      tpu.wait_dma2 semaphore(%run_scoped3A : memref<!tpu.dma_semaphore, #tpu.memory_space<semaphore_mem>>) src(%arg6 : memref<512x64xf32, #tpu.memory_space<vmem>>) dst(%dma_wait3A_17 : memref<512x64xf32, #tpu.memory_space<hbm>>)
      tpu.yield
    }) : () -> ()
    return
  }
}

#map = affine_map<(d0, d1) -> (0, 0)>
module attributes {stable_mosaic.version = 14 : i64} {
  func.func @new_body(%arg0: i32, %arg1: i32, %arg2: memref<32x512xi32, #tpu.memory_space<hbm>>, %arg3: memref<16384x64xf32, #tpu.memory_space<hbm>>, %arg4: memref<1000000x64xf32, #tpu.memory_space<hbm>>, %arg5: memref<1000000x64xf32, #tpu.memory_space<hbm>>, %arg6: memref<512xi32, #tpu.memory_space<vmem>>, %arg7: memref<512x64xf32, #tpu.memory_space<vmem>>, %arg8: memref<!tpu.dma_semaphore, #tpu.memory_space<semaphore_mem>>, %arg9: memref<!tpu.dma_semaphore, #tpu.memory_space<semaphore_mem>>) attributes {dimension_semantics = [#tpu.dimension_semantics<core_parallel>, #tpu.dimension_semantics<subcore_parallel>], iteration_bounds = array<i64: 2, 16>, scalar_prefetch = 0 : i64, scratch_operands = 4 : i64, tpu.core_type = #tpu.core_type<sc_vector_subcore>, window_params = [{transform_indices = #map}, {transform_indices = #map}, {transform_indices = #map}, {transform_indices = #map}]} {
    %mul3A = arith.constant 2 : i32
    %mul3A_0 = arith.muli %arg1, %mul3A : i32
    %add3A = arith.addi %mul3A_0, %arg0 : i32
    "tpu.region"() ({
      %run_scoped3A = tpu.sem_alloc : memref<!tpu.dma_semaphore, #tpu.memory_space<semaphore_mem>>
      %dma_start3A = arith.constant 0 : i32
      %dma_start3A_12 = tpu.memref_slice %arg2[%add3A, %dma_start3A] : memref<32x512xi32, #tpu.memory_space<hbm>> -> memref<1x512xi32, #tpu.memory_space<hbm>>
      %dma_start3A_13 = tpu.memref_squeeze %dma_start3A_12 : memref<1x512xi32, #tpu.memory_space<hbm>> -> memref<512xi32, #tpu.memory_space<hbm>>
      %dma_start3A_14 = arith.constant 0 : i32
      %dma_start3A_15 = tpu.memref_slice %arg2[%add3A, %dma_start3A_14] : memref<32x512xi32, #tpu.memory_space<hbm>> -> memref<1x512xi32, #tpu.memory_space<hbm>>
      %dma_start3A_16 = tpu.memref_squeeze %dma_start3A_15 : memref<1x512xi32, #tpu.memory_space<hbm>> -> memref<512xi32, #tpu.memory_space<hbm>>
      tpu.enqueue_dma source(%dma_start3A_16 : memref<512xi32, #tpu.memory_space<hbm>>) target(%arg6 : memref<512xi32, #tpu.memory_space<vmem>>) target_semaphore(%run_scoped3A : memref<!tpu.dma_semaphore, #tpu.memory_space<semaphore_mem>>)
      %dma_wait3A = arith.constant 0 : i32
      %dma_wait3A_17 = tpu.memref_slice %arg2[%add3A, %dma_wait3A] : memref<32x512xi32, #tpu.memory_space<hbm>> -> memref<1x512xi32, #tpu.memory_space<hbm>>
      %dma_wait3A_18 = tpu.memref_squeeze %dma_wait3A_17 : memref<1x512xi32, #tpu.memory_space<hbm>> -> memref<512xi32, #tpu.memory_space<hbm>>
      %dma_wait3A_19 = arith.constant 0 : i32
      %dma_wait3A_20 = tpu.memref_slice %arg2[%add3A, %dma_wait3A_19] : memref<32x512xi32, #tpu.memory_space<hbm>> -> memref<1x512xi32, #tpu.memory_space<hbm>>
      %dma_wait3A_21 = tpu.memref_squeeze %dma_wait3A_20 : memref<1x512xi32, #tpu.memory_space<hbm>> -> memref<512xi32, #tpu.memory_space<hbm>>
      tpu.wait_dma2 semaphore(%run_scoped3A : memref<!tpu.dma_semaphore, #tpu.memory_space<semaphore_mem>>) src(%dma_wait3A_21 : memref<512xi32, #tpu.memory_space<hbm>>) dst(%arg6 : memref<512xi32, #tpu.memory_space<vmem>>)
      tpu.yield
    }) : () -> ()
    %mul3A_1 = arith.constant 512 : i32
    %mul3A_2 = arith.muli %add3A, %mul3A_1 : i32
    "tpu.region"() ({
      %run_scoped3A = tpu.sem_alloc : memref<!tpu.dma_semaphore, #tpu.memory_space<semaphore_mem>>
      %dma_start3A = arith.constant 0 : i32
      %dma_start3A_12 = tpu.memref_slice %arg3[%mul3A_2, %dma_start3A] : memref<16384x64xf32, #tpu.memory_space<hbm>> -> memref<512x64xf32, #tpu.memory_space<hbm>>
      %dma_start3A_13 = arith.constant 0 : i32
      %dma_start3A_14 = tpu.memref_slice %arg3[%mul3A_2, %dma_start3A_13] : memref<16384x64xf32, #tpu.memory_space<hbm>> -> memref<512x64xf32, #tpu.memory_space<hbm>>
      tpu.enqueue_dma source(%dma_start3A_14 : memref<512x64xf32, #tpu.memory_space<hbm>>) target(%arg7 : memref<512x64xf32, #tpu.memory_space<vmem>>) target_semaphore(%run_scoped3A : memref<!tpu.dma_semaphore, #tpu.memory_space<semaphore_mem>>)
      %dma_wait3A = arith.constant 0 : i32
      %dma_wait3A_15 = tpu.memref_slice %arg3[%mul3A_2, %dma_wait3A] : memref<16384x64xf32, #tpu.memory_space<hbm>> -> memref<512x64xf32, #tpu.memory_space<hbm>>
      %dma_wait3A_16 = arith.constant 0 : i32
      %dma_wait3A_17 = tpu.memref_slice %arg3[%mul3A_2, %dma_wait3A_16] : memref<16384x64xf32, #tpu.memory_space<hbm>> -> memref<512x64xf32, #tpu.memory_space<hbm>>
      tpu.wait_dma2 semaphore(%run_scoped3A : memref<!tpu.dma_semaphore, #tpu.memory_space<semaphore_mem>>) src(%dma_wait3A_17 : memref<512x64xf32, #tpu.memory_space<hbm>>) dst(%arg7 : memref<512x64xf32, #tpu.memory_space<vmem>>)
      tpu.yield
    }) : () -> ()
    %iota3A = tpu.iota {dimensions = array<i32: 0>} : vector<16xi32>
    %scan3A = arith.constant 0 : i32
    %scan3A_3 = arith.constant 32 : i32
    %scan3A_4 = arith.addi %scan3A, %scan3A_3 : i32
    %scan3A_5 = arith.constant 1 : i32
    scf.for %scan3A_12 = %scan3A to %scan3A_4 step %scan3A_5  : i32 {
      %mul3A_13 = arith.constant 1 : i32
      %mul3A_14 = arith.muli %scan3A_12, %mul3A_13 : i32
      %add3A_15 = arith.constant 0 : i32
      %add3A_16 = arith.addi %add3A_15, %mul3A_14 : i32
      %mul3A_17 = arith.constant 16 : i32
      %mul3A_18 = arith.muli %add3A_16, %mul3A_17 : i32
      %get3A = arith.index_cast %mul3A_18 : i32 to index
      %get3A_19 = tpu.vector_load %arg6[%get3A] {strides = array<i32>} : memref<512xi32, #tpu.memory_space<vmem>>, vector<16xi32>,
      %eq3A = arith.constant 0 : i32
      %eq3A_20 = vector.broadcast %eq3A : i32 to vector<16xi32>
      %eq3A_21 = arith.cmpi eq, %iota3A, %eq3A_20 : vector<16xi32>
      %jit3A = arith.constant 0 : i32
      %broadcast_in_dim3A = vector.broadcast %jit3A : i32 to vector<16xi32>
      %select_n3A = arith.select %eq3A_21, %get3A_19, %broadcast_in_dim3A : vector<16xi1>, vector<16xi32>
      %reduce_max3A = arith.constant true
      %reduce_max3A_22 = vector.broadcast %reduce_max3A : i1 to vector<16xi1>
      %reduce_max3A_23 = arith.constant -2147483648 : i32
      %reduce_max3A_24 = vector.broadcast %reduce_max3A_23 : i32 to vector<16xi32>
      %reduce_max3A_25 = arith.xori %select_n3A, %reduce_max3A_24 : vector<16xi32>
      %reduce_max3A_26 = tpu.scan <max>, %reduce_max3A_25 masked %reduce_max3A_22 : vector<16xi32>, vector<16xi1> -> vector<16xi32>
      %reduce_max3A_27 = arith.xori %reduce_max3A_26, %reduce_max3A_24 : vector<16xi32>
      %reduce_max3A_28 = vector.extract %reduce_max3A_27[15] : i32 from vector<16xi32>
      %mul3A_29 = arith.constant 16 : i32
      %mul3A_30 = arith.muli %add3A_16, %mul3A_29 : i32
      %add3A_31 = arith.constant 0 : i32
      %add3A_32 = arith.addi %mul3A_30, %add3A_31 : i32
      %dma_start3A = arith.constant 0 : i32
      %dma_start3A_33 = tpu.memref_slice %arg7[%add3A_32, %dma_start3A] : memref<512x64xf32, #tpu.memory_space<vmem>> -> memref<1x64xf32, #tpu.memory_space<vmem>>
      %dma_start3A_34 = arith.constant 0 : i32
      %dma_start3A_35 = tpu.memref_slice %arg4[%reduce_max3A_28, %dma_start3A_34] : memref<1000000x64xf32, #tpu.memory_space<hbm>> -> memref<1x64xf32, #tpu.memory_space<hbm>>
      %dma_start3A_36 = arith.constant 0 : i32
      %dma_start3A_37 = tpu.memref_slice %arg4[%reduce_max3A_28, %dma_start3A_36] : memref<1000000x64xf32, #tpu.memory_space<hbm>> -> memref<1x64xf32, #tpu.memory_space<hbm>>
      %dma_start3A_38 = arith.constant 0 : i32
      %dma_start3A_39 = tpu.memref_slice %arg7[%add3A_32, %dma_start3A_38] : memref<512x64xf32, #tpu.memory_space<vmem>> -> memref<1x64xf32, #tpu.memory_space<vmem>>
      tpu.enqueue_dma source(%dma_start3A_39 : memref<1x64xf32, #tpu.memory_space<vmem>>) target(%dma_start3A_37 : memref<1x64xf32, #tpu.memory_space<hbm>>) target_semaphore(%arg9 : memref<!tpu.dma_semaphore, #tpu.memory_space<semaphore_mem>>)
      %eq3A_40 = arith.constant 1 : i32
      %eq3A_41 = vector.broadcast %eq3A_40 : i32 to vector<16xi32>
      %eq3A_42 = arith.cmpi eq, %iota3A, %eq3A_41 : vector<16xi32>
      %jit3A_43 = arith.constant 0 : i32
      %broadcast_in_dim3A_44 = vector.broadcast %jit3A_43 : i32 to vector<16xi32>
      %select_n3A_45 = arith.select %eq3A_42, %get3A_19, %broadcast_in_dim3A_44 : vector<16xi1>, vector<16xi32>
      %reduce_max3A_46 = arith.constant true
      %reduce_max3A_47 = vector.broadcast %reduce_max3A_46 : i1 to vector<16xi1>
      %reduce_max3A_48 = arith.constant -2147483648 : i32
      %reduce_max3A_49 = vector.broadcast %reduce_max3A_48 : i32 to vector<16xi32>
      %reduce_max3A_50 = arith.xori %select_n3A_45, %reduce_max3A_49 : vector<16xi32>
      %reduce_max3A_51 = tpu.scan <max>, %reduce_max3A_50 masked %reduce_max3A_47 : vector<16xi32>, vector<16xi1> -> vector<16xi32>
      %reduce_max3A_52 = arith.xori %reduce_max3A_51, %reduce_max3A_49 : vector<16xi32>
      %reduce_max3A_53 = vector.extract %reduce_max3A_52[15] : i32 from vector<16xi32>
      %mul3A_54 = arith.constant 16 : i32
      %mul3A_55 = arith.muli %add3A_16, %mul3A_54 : i32
      %add3A_56 = arith.constant 1 : i32
      %add3A_57 = arith.addi %mul3A_55, %add3A_56 : i32
      %dma_start3A_58 = arith.constant 0 : i32
      %dma_start3A_59 = tpu.memref_slice %arg7[%add3A_57, %dma_start3A_58] : memref<512x64xf32, #tpu.memory_space<vmem>> -> memref<1x64xf32, #tpu.memory_space<vmem>>
      %dma_start3A_60 = arith.constant 0 : i32
      %dma_start3A_61 = tpu.memref_slice %arg4[%reduce_max3A_53, %dma_start3A_60] : memref<1000000x64xf32, #tpu.memory_space<hbm>> -> memref<1x64xf32, #tpu.memory_space<hbm>>
      %dma_start3A_62 = arith.constant 0 : i32
      %dma_start3A_63 = tpu.memref_slice %arg4[%reduce_max3A_53, %dma_start3A_62] : memref<1000000x64xf32, #tpu.memory_space<hbm>> -> memref<1x64xf32, #tpu.memory_space<hbm>>
      %dma_start3A_64 = arith.constant 0 : i32
      %dma_start3A_65 = tpu.memref_slice %arg7[%add3A_57, %dma_start3A_64] : memref<512x64xf32, #tpu.memory_space<vmem>> -> memref<1x64xf32, #tpu.memory_space<vmem>>
      tpu.enqueue_dma source(%dma_start3A_65 : memref<1x64xf32, #tpu.memory_space<vmem>>) target(%dma_start3A_63 : memref<1x64xf32, #tpu.memory_space<hbm>>) target_semaphore(%arg9 : memref<!tpu.dma_semaphore, #tpu.memory_space<semaphore_mem>>)
      %eq3A_66 = arith.constant 2 : i32
      %eq3A_67 = vector.broadcast %eq3A_66 : i32 to vector<16xi32>
      %eq3A_68 = arith.cmpi eq, %iota3A, %eq3A_67 : vector<16xi32>
      %jit3A_69 = arith.constant 0 : i32
      %broadcast_in_dim3A_70 = vector.broadcast %jit3A_69 : i32 to vector<16xi32>
      %select_n3A_71 = arith.select %eq3A_68, %get3A_19, %broadcast_in_dim3A_70 : vector<16xi1>, vector<16xi32>
      %reduce_max3A_72 = arith.constant true
      %reduce_max3A_73 = vector.broadcast %reduce_max3A_72 : i1 to vector<16xi1>
      %reduce_max3A_74 = arith.constant -2147483648 : i32
      %reduce_max3A_75 = vector.broadcast %reduce_max3A_74 : i32 to vector<16xi32>
      %reduce_max3A_76 = arith.xori %select_n3A_71, %reduce_max3A_75 : vector<16xi32>
      %reduce_max3A_77 = tpu.scan <max>, %reduce_max3A_76 masked %reduce_max3A_73 : vector<16xi32>, vector<16xi1> -> vector<16xi32>
      %reduce_max3A_78 = arith.xori %reduce_max3A_77, %reduce_max3A_75 : vector<16xi32>
      %reduce_max3A_79 = vector.extract %reduce_max3A_78[15] : i32 from vector<16xi32>
      %mul3A_80 = arith.constant 16 : i32
      %mul3A_81 = arith.muli %add3A_16, %mul3A_80 : i32
      %add3A_82 = arith.constant 2 : i32
      %add3A_83 = arith.addi %mul3A_81, %add3A_82 : i32
      %dma_start3A_84 = arith.constant 0 : i32
      %dma_start3A_85 = tpu.memref_slice %arg7[%add3A_83, %dma_start3A_84] : memref<512x64xf32, #tpu.memory_space<vmem>> -> memref<1x64xf32, #tpu.memory_space<vmem>>
      %dma_start3A_86 = arith.constant 0 : i32
      %dma_start3A_87 = tpu.memref_slice %arg4[%reduce_max3A_79, %dma_start3A_86] : memref<1000000x64xf32, #tpu.memory_space<hbm>> -> memref<1x64xf32, #tpu.memory_space<hbm>>
      %dma_start3A_88 = arith.constant 0 : i32
      %dma_start3A_89 = tpu.memref_slice %arg4[%reduce_max3A_79, %dma_start3A_88] : memref<1000000x64xf32, #tpu.memory_space<hbm>> -> memref<1x64xf32, #tpu.memory_space<hbm>>
      %dma_start3A_90 = arith.constant 0 : i32
      %dma_start3A_91 = tpu.memref_slice %arg7[%add3A_83, %dma_start3A_90] : memref<512x64xf32, #tpu.memory_space<vmem>> -> memref<1x64xf32, #tpu.memory_space<vmem>>
      tpu.enqueue_dma source(%dma_start3A_91 : memref<1x64xf32, #tpu.memory_space<vmem>>) target(%dma_start3A_89 : memref<1x64xf32, #tpu.memory_space<hbm>>) target_semaphore(%arg9 : memref<!tpu.dma_semaphore, #tpu.memory_space<semaphore_mem>>)
      %eq3A_92 = arith.constant 3 : i32
      %eq3A_93 = vector.broadcast %eq3A_92 : i32 to vector<16xi32>
      %eq3A_94 = arith.cmpi eq, %iota3A, %eq3A_93 : vector<16xi32>
      %jit3A_95 = arith.constant 0 : i32
      %broadcast_in_dim3A_96 = vector.broadcast %jit3A_95 : i32 to vector<16xi32>
      %select_n3A_97 = arith.select %eq3A_94, %get3A_19, %broadcast_in_dim3A_96 : vector<16xi1>, vector<16xi32>
      %reduce_max3A_98 = arith.constant true
      %reduce_max3A_99 = vector.broadcast %reduce_max3A_98 : i1 to vector<16xi1>
      %reduce_max3A_100 = arith.constant -2147483648 : i32
      %reduce_max3A_101 = vector.broadcast %reduce_max3A_100 : i32 to vector<16xi32>
      %reduce_max3A_102 = arith.xori %select_n3A_97, %reduce_max3A_101 : vector<16xi32>
      %reduce_max3A_103 = tpu.scan <max>, %reduce_max3A_102 masked %reduce_max3A_99 : vector<16xi32>, vector<16xi1> -> vector<16xi32>
      %reduce_max3A_104 = arith.xori %reduce_max3A_103, %reduce_max3A_101 : vector<16xi32>
      %reduce_max3A_105 = vector.extract %reduce_max3A_104[15] : i32 from vector<16xi32>
      %mul3A_106 = arith.constant 16 : i32
      %mul3A_107 = arith.muli %add3A_16, %mul3A_106 : i32
      %add3A_108 = arith.constant 3 : i32
      %add3A_109 = arith.addi %mul3A_107, %add3A_108 : i32
      %dma_start3A_110 = arith.constant 0 : i32
      %dma_start3A_111 = tpu.memref_slice %arg7[%add3A_109, %dma_start3A_110] : memref<512x64xf32, #tpu.memory_space<vmem>> -> memref<1x64xf32, #tpu.memory_space<vmem>>
      %dma_start3A_112 = arith.constant 0 : i32
      %dma_start3A_113 = tpu.memref_slice %arg4[%reduce_max3A_105, %dma_start3A_112] : memref<1000000x64xf32, #tpu.memory_space<hbm>> -> memref<1x64xf32, #tpu.memory_space<hbm>>
      %dma_start3A_114 = arith.constant 0 : i32
      %dma_start3A_115 = tpu.memref_slice %arg4[%reduce_max3A_105, %dma_start3A_114] : memref<1000000x64xf32, #tpu.memory_space<hbm>> -> memref<1x64xf32, #tpu.memory_space<hbm>>
      %dma_start3A_116 = arith.constant 0 : i32
      %dma_start3A_117 = tpu.memref_slice %arg7[%add3A_109, %dma_start3A_116] : memref<512x64xf32, #tpu.memory_space<vmem>> -> memref<1x64xf32, #tpu.memory_space<vmem>>
      tpu.enqueue_dma source(%dma_start3A_117 : memref<1x64xf32, #tpu.memory_space<vmem>>) target(%dma_start3A_115 : memref<1x64xf32, #tpu.memory_space<hbm>>) target_semaphore(%arg9 : memref<!tpu.dma_semaphore, #tpu.memory_space<semaphore_mem>>)
      %eq3A_118 = arith.constant 4 : i32
      %eq3A_119 = vector.broadcast %eq3A_118 : i32 to vector<16xi32>
      %eq3A_120 = arith.cmpi eq, %iota3A, %eq3A_119 : vector<16xi32>
      %jit3A_121 = arith.constant 0 : i32
      %broadcast_in_dim3A_122 = vector.broadcast %jit3A_121 : i32 to vector<16xi32>
      %select_n3A_123 = arith.select %eq3A_120, %get3A_19, %broadcast_in_dim3A_122 : vector<16xi1>, vector<16xi32>
      %reduce_max3A_124 = arith.constant true
      %reduce_max3A_125 = vector.broadcast %reduce_max3A_124 : i1 to vector<16xi1>
      %reduce_max3A_126 = arith.constant -2147483648 : i32
      %reduce_max3A_127 = vector.broadcast %reduce_max3A_126 : i32 to vector<16xi32>
      %reduce_max3A_128 = arith.xori %select_n3A_123, %reduce_max3A_127 : vector<16xi32>
      %reduce_max3A_129 = tpu.scan <max>, %reduce_max3A_128 masked %reduce_max3A_125 : vector<16xi32>, vector<16xi1> -> vector<16xi32>
      %reduce_max3A_130 = arith.xori %reduce_max3A_129, %reduce_max3A_127 : vector<16xi32>
      %reduce_max3A_131 = vector.extract %reduce_max3A_130[15] : i32 from vector<16xi32>
      %mul3A_132 = arith.constant 16 : i32
      %mul3A_133 = arith.muli %add3A_16, %mul3A_132 : i32
      %add3A_134 = arith.constant 4 : i32
      %add3A_135 = arith.addi %mul3A_133, %add3A_134 : i32
      %dma_start3A_136 = arith.constant 0 : i32
      %dma_start3A_137 = tpu.memref_slice %arg7[%add3A_135, %dma_start3A_136] : memref<512x64xf32, #tpu.memory_space<vmem>> -> memref<1x64xf32, #tpu.memory_space<vmem>>
      %dma_start3A_138 = arith.constant 0 : i32
      %dma_start3A_139 = tpu.memref_slice %arg4[%reduce_max3A_131, %dma_start3A_138] : memref<1000000x64xf32, #tpu.memory_space<hbm>> -> memref<1x64xf32, #tpu.memory_space<hbm>>
      %dma_start3A_140 = arith.constant 0 : i32
      %dma_start3A_141 = tpu.memref_slice %arg4[%reduce_max3A_131, %dma_start3A_140] : memref<1000000x64xf32, #tpu.memory_space<hbm>> -> memref<1x64xf32, #tpu.memory_space<hbm>>
      %dma_start3A_142 = arith.constant 0 : i32
      %dma_start3A_143 = tpu.memref_slice %arg7[%add3A_135, %dma_start3A_142] : memref<512x64xf32, #tpu.memory_space<vmem>> -> memref<1x64xf32, #tpu.memory_space<vmem>>
      tpu.enqueue_dma source(%dma_start3A_143 : memref<1x64xf32, #tpu.memory_space<vmem>>) target(%dma_start3A_141 : memref<1x64xf32, #tpu.memory_space<hbm>>) target_semaphore(%arg9 : memref<!tpu.dma_semaphore, #tpu.memory_space<semaphore_mem>>)
      %eq3A_144 = arith.constant 5 : i32
      %eq3A_145 = vector.broadcast %eq3A_144 : i32 to vector<16xi32>
      %eq3A_146 = arith.cmpi eq, %iota3A, %eq3A_145 : vector<16xi32>
      %jit3A_147 = arith.constant 0 : i32
      %broadcast_in_dim3A_148 = vector.broadcast %jit3A_147 : i32 to vector<16xi32>
      %select_n3A_149 = arith.select %eq3A_146, %get3A_19, %broadcast_in_dim3A_148 : vector<16xi1>, vector<16xi32>
      %reduce_max3A_150 = arith.constant true
      %reduce_max3A_151 = vector.broadcast %reduce_max3A_150 : i1 to vector<16xi1>
      %reduce_max3A_152 = arith.constant -2147483648 : i32
      %reduce_max3A_153 = vector.broadcast %reduce_max3A_152 : i32 to vector<16xi32>
      %reduce_max3A_154 = arith.xori %select_n3A_149, %reduce_max3A_153 : vector<16xi32>
      %reduce_max3A_155 = tpu.scan <max>, %reduce_max3A_154 masked %reduce_max3A_151 : vector<16xi32>, vector<16xi1> -> vector<16xi32>
      %reduce_max3A_156 = arith.xori %reduce_max3A_155, %reduce_max3A_153 : vector<16xi32>
      %reduce_max3A_157 = vector.extract %reduce_max3A_156[15] : i32 from vector<16xi32>
      %mul3A_158 = arith.constant 16 : i32
      %mul3A_159 = arith.muli %add3A_16, %mul3A_158 : i32
      %add3A_160 = arith.constant 5 : i32
      %add3A_161 = arith.addi %mul3A_159, %add3A_160 : i32
      %dma_start3A_162 = arith.constant 0 : i32
      %dma_start3A_163 = tpu.memref_slice %arg7[%add3A_161, %dma_start3A_162] : memref<512x64xf32, #tpu.memory_space<vmem>> -> memref<1x64xf32, #tpu.memory_space<vmem>>
      %dma_start3A_164 = arith.constant 0 : i32
      %dma_start3A_165 = tpu.memref_slice %arg4[%reduce_max3A_157, %dma_start3A_164] : memref<1000000x64xf32, #tpu.memory_space<hbm>> -> memref<1x64xf32, #tpu.memory_space<hbm>>
      %dma_start3A_166 = arith.constant 0 : i32
      %dma_start3A_167 = tpu.memref_slice %arg4[%reduce_max3A_157, %dma_start3A_166] : memref<1000000x64xf32, #tpu.memory_space<hbm>> -> memref<1x64xf32, #tpu.memory_space<hbm>>
      %dma_start3A_168 = arith.constant 0 : i32
      %dma_start3A_169 = tpu.memref_slice %arg7[%add3A_161, %dma_start3A_168] : memref<512x64xf32, #tpu.memory_space<vmem>> -> memref<1x64xf32, #tpu.memory_space<vmem>>
      tpu.enqueue_dma source(%dma_start3A_169 : memref<1x64xf32, #tpu.memory_space<vmem>>) target(%dma_start3A_167 : memref<1x64xf32, #tpu.memory_space<hbm>>) target_semaphore(%arg9 : memref<!tpu.dma_semaphore, #tpu.memory_space<semaphore_mem>>)
      %eq3A_170 = arith.constant 6 : i32
      %eq3A_171 = vector.broadcast %eq3A_170 : i32 to vector<16xi32>
      %eq3A_172 = arith.cmpi eq, %iota3A, %eq3A_171 : vector<16xi32>
      %jit3A_173 = arith.constant 0 : i32
      %broadcast_in_dim3A_174 = vector.broadcast %jit3A_173 : i32 to vector<16xi32>
      %select_n3A_175 = arith.select %eq3A_172, %get3A_19, %broadcast_in_dim3A_174 : vector<16xi1>, vector<16xi32>
      %reduce_max3A_176 = arith.constant true
      %reduce_max3A_177 = vector.broadcast %reduce_max3A_176 : i1 to vector<16xi1>
      %reduce_max3A_178 = arith.constant -2147483648 : i32
      %reduce_max3A_179 = vector.broadcast %reduce_max3A_178 : i32 to vector<16xi32>
      %reduce_max3A_180 = arith.xori %select_n3A_175, %reduce_max3A_179 : vector<16xi32>
      %reduce_max3A_181 = tpu.scan <max>, %reduce_max3A_180 masked %reduce_max3A_177 : vector<16xi32>, vector<16xi1> -> vector<16xi32>
      %reduce_max3A_182 = arith.xori %reduce_max3A_181, %reduce_max3A_179 : vector<16xi32>
      %reduce_max3A_183 = vector.extract %reduce_max3A_182[15] : i32 from vector<16xi32>
      %mul3A_184 = arith.constant 16 : i32
      %mul3A_185 = arith.muli %add3A_16, %mul3A_184 : i32
      %add3A_186 = arith.constant 6 : i32
      %add3A_187 = arith.addi %mul3A_185, %add3A_186 : i32
      %dma_start3A_188 = arith.constant 0 : i32
      %dma_start3A_189 = tpu.memref_slice %arg7[%add3A_187, %dma_start3A_188] : memref<512x64xf32, #tpu.memory_space<vmem>> -> memref<1x64xf32, #tpu.memory_space<vmem>>
      %dma_start3A_190 = arith.constant 0 : i32
      %dma_start3A_191 = tpu.memref_slice %arg4[%reduce_max3A_183, %dma_start3A_190] : memref<1000000x64xf32, #tpu.memory_space<hbm>> -> memref<1x64xf32, #tpu.memory_space<hbm>>
      %dma_start3A_192 = arith.constant 0 : i32
      %dma_start3A_193 = tpu.memref_slice %arg4[%reduce_max3A_183, %dma_start3A_192] : memref<1000000x64xf32, #tpu.memory_space<hbm>> -> memref<1x64xf32, #tpu.memory_space<hbm>>
      %dma_start3A_194 = arith.constant 0 : i32
      %dma_start3A_195 = tpu.memref_slice %arg7[%add3A_187, %dma_start3A_194] : memref<512x64xf32, #tpu.memory_space<vmem>> -> memref<1x64xf32, #tpu.memory_space<vmem>>
      tpu.enqueue_dma source(%dma_start3A_195 : memref<1x64xf32, #tpu.memory_space<vmem>>) target(%dma_start3A_193 : memref<1x64xf32, #tpu.memory_space<hbm>>) target_semaphore(%arg9 : memref<!tpu.dma_semaphore, #tpu.memory_space<semaphore_mem>>)
      %eq3A_196 = arith.constant 7 : i32
      %eq3A_197 = vector.broadcast %eq3A_196 : i32 to vector<16xi32>
      %eq3A_198 = arith.cmpi eq, %iota3A, %eq3A_197 : vector<16xi32>
      %jit3A_199 = arith.constant 0 : i32
      %broadcast_in_dim3A_200 = vector.broadcast %jit3A_199 : i32 to vector<16xi32>
      %select_n3A_201 = arith.select %eq3A_198, %get3A_19, %broadcast_in_dim3A_200 : vector<16xi1>, vector<16xi32>
      %reduce_max3A_202 = arith.constant true
      %reduce_max3A_203 = vector.broadcast %reduce_max3A_202 : i1 to vector<16xi1>
      %reduce_max3A_204 = arith.constant -2147483648 : i32
      %reduce_max3A_205 = vector.broadcast %reduce_max3A_204 : i32 to vector<16xi32>
      %reduce_max3A_206 = arith.xori %select_n3A_201, %reduce_max3A_205 : vector<16xi32>
      %reduce_max3A_207 = tpu.scan <max>, %reduce_max3A_206 masked %reduce_max3A_203 : vector<16xi32>, vector<16xi1> -> vector<16xi32>
      %reduce_max3A_208 = arith.xori %reduce_max3A_207, %reduce_max3A_205 : vector<16xi32>
      %reduce_max3A_209 = vector.extract %reduce_max3A_208[15] : i32 from vector<16xi32>
      %mul3A_210 = arith.constant 16 : i32
      %mul3A_211 = arith.muli %add3A_16, %mul3A_210 : i32
      %add3A_212 = arith.constant 7 : i32
      %add3A_213 = arith.addi %mul3A_211, %add3A_212 : i32
      %dma_start3A_214 = arith.constant 0 : i32
      %dma_start3A_215 = tpu.memref_slice %arg7[%add3A_213, %dma_start3A_214] : memref<512x64xf32, #tpu.memory_space<vmem>> -> memref<1x64xf32, #tpu.memory_space<vmem>>
      %dma_start3A_216 = arith.constant 0 : i32
      %dma_start3A_217 = tpu.memref_slice %arg4[%reduce_max3A_209, %dma_start3A_216] : memref<1000000x64xf32, #tpu.memory_space<hbm>> -> memref<1x64xf32, #tpu.memory_space<hbm>>
      %dma_start3A_218 = arith.constant 0 : i32
      %dma_start3A_219 = tpu.memref_slice %arg4[%reduce_max3A_209, %dma_start3A_218] : memref<1000000x64xf32, #tpu.memory_space<hbm>> -> memref<1x64xf32, #tpu.memory_space<hbm>>
      %dma_start3A_220 = arith.constant 0 : i32
      %dma_start3A_221 = tpu.memref_slice %arg7[%add3A_213, %dma_start3A_220] : memref<512x64xf32, #tpu.memory_space<vmem>> -> memref<1x64xf32, #tpu.memory_space<vmem>>
      tpu.enqueue_dma source(%dma_start3A_221 : memref<1x64xf32, #tpu.memory_space<vmem>>) target(%dma_start3A_219 : memref<1x64xf32, #tpu.memory_space<hbm>>) target_semaphore(%arg9 : memref<!tpu.dma_semaphore, #tpu.memory_space<semaphore_mem>>)
      %eq3A_222 = arith.constant 8 : i32
      %eq3A_223 = vector.broadcast %eq3A_222 : i32 to vector<16xi32>
      %eq3A_224 = arith.cmpi eq, %iota3A, %eq3A_223 : vector<16xi32>
      %jit3A_225 = arith.constant 0 : i32
      %broadcast_in_dim3A_226 = vector.broadcast %jit3A_225 : i32 to vector<16xi32>
      %select_n3A_227 = arith.select %eq3A_224, %get3A_19, %broadcast_in_dim3A_226 : vector<16xi1>, vector<16xi32>
      %reduce_max3A_228 = arith.constant true
      %reduce_max3A_229 = vector.broadcast %reduce_max3A_228 : i1 to vector<16xi1>
      %reduce_max3A_230 = arith.constant -2147483648 : i32
      %reduce_max3A_231 = vector.broadcast %reduce_max3A_230 : i32 to vector<16xi32>
      %reduce_max3A_232 = arith.xori %select_n3A_227, %reduce_max3A_231 : vector<16xi32>
      %reduce_max3A_233 = tpu.scan <max>, %reduce_max3A_232 masked %reduce_max3A_229 : vector<16xi32>, vector<16xi1> -> vector<16xi32>
      %reduce_max3A_234 = arith.xori %reduce_max3A_233, %reduce_max3A_231 : vector<16xi32>
      %reduce_max3A_235 = vector.extract %reduce_max3A_234[15] : i32 from vector<16xi32>
      %mul3A_236 = arith.constant 16 : i32
      %mul3A_237 = arith.muli %add3A_16, %mul3A_236 : i32
      %add3A_238 = arith.constant 8 : i32
      %add3A_239 = arith.addi %mul3A_237, %add3A_238 : i32
      %dma_start3A_240 = arith.constant 0 : i32
      %dma_start3A_241 = tpu.memref_slice %arg7[%add3A_239, %dma_start3A_240] : memref<512x64xf32, #tpu.memory_space<vmem>> -> memref<1x64xf32, #tpu.memory_space<vmem>>
      %dma_start3A_242 = arith.constant 0 : i32
      %dma_start3A_243 = tpu.memref_slice %arg4[%reduce_max3A_235, %dma_start3A_242] : memref<1000000x64xf32, #tpu.memory_space<hbm>> -> memref<1x64xf32, #tpu.memory_space<hbm>>
      %dma_start3A_244 = arith.constant 0 : i32
      %dma_start3A_245 = tpu.memref_slice %arg4[%reduce_max3A_235, %dma_start3A_244] : memref<1000000x64xf32, #tpu.memory_space<hbm>> -> memref<1x64xf32, #tpu.memory_space<hbm>>
      %dma_start3A_246 = arith.constant 0 : i32
      %dma_start3A_247 = tpu.memref_slice %arg7[%add3A_239, %dma_start3A_246] : memref<512x64xf32, #tpu.memory_space<vmem>> -> memref<1x64xf32, #tpu.memory_space<vmem>>
      tpu.enqueue_dma source(%dma_start3A_247 : memref<1x64xf32, #tpu.memory_space<vmem>>) target(%dma_start3A_245 : memref<1x64xf32, #tpu.memory_space<hbm>>) target_semaphore(%arg9 : memref<!tpu.dma_semaphore, #tpu.memory_space<semaphore_mem>>)
      %eq3A_248 = arith.constant 9 : i32
      %eq3A_249 = vector.broadcast %eq3A_248 : i32 to vector<16xi32>
      %eq3A_250 = arith.cmpi eq, %iota3A, %eq3A_249 : vector<16xi32>
      %jit3A_251 = arith.constant 0 : i32
      %broadcast_in_dim3A_252 = vector.broadcast %jit3A_251 : i32 to vector<16xi32>
      %select_n3A_253 = arith.select %eq3A_250, %get3A_19, %broadcast_in_dim3A_252 : vector<16xi1>, vector<16xi32>
      %reduce_max3A_254 = arith.constant true
      %reduce_max3A_255 = vector.broadcast %reduce_max3A_254 : i1 to vector<16xi1>
      %reduce_max3A_256 = arith.constant -2147483648 : i32
      %reduce_max3A_257 = vector.broadcast %reduce_max3A_256 : i32 to vector<16xi32>
      %reduce_max3A_258 = arith.xori %select_n3A_253, %reduce_max3A_257 : vector<16xi32>
      %reduce_max3A_259 = tpu.scan <max>, %reduce_max3A_258 masked %reduce_max3A_255 : vector<16xi32>, vector<16xi1> -> vector<16xi32>
      %reduce_max3A_260 = arith.xori %reduce_max3A_259, %reduce_max3A_257 : vector<16xi32>
      %reduce_max3A_261 = vector.extract %reduce_max3A_260[15] : i32 from vector<16xi32>
      %mul3A_262 = arith.constant 16 : i32
      %mul3A_263 = arith.muli %add3A_16, %mul3A_262 : i32
      %add3A_264 = arith.constant 9 : i32
      %add3A_265 = arith.addi %mul3A_263, %add3A_264 : i32
      %dma_start3A_266 = arith.constant 0 : i32
      %dma_start3A_267 = tpu.memref_slice %arg7[%add3A_265, %dma_start3A_266] : memref<512x64xf32, #tpu.memory_space<vmem>> -> memref<1x64xf32, #tpu.memory_space<vmem>>
      %dma_start3A_268 = arith.constant 0 : i32
      %dma_start3A_269 = tpu.memref_slice %arg4[%reduce_max3A_261, %dma_start3A_268] : memref<1000000x64xf32, #tpu.memory_space<hbm>> -> memref<1x64xf32, #tpu.memory_space<hbm>>
      %dma_start3A_270 = arith.constant 0 : i32
      %dma_start3A_271 = tpu.memref_slice %arg4[%reduce_max3A_261, %dma_start3A_270] : memref<1000000x64xf32, #tpu.memory_space<hbm>> -> memref<1x64xf32, #tpu.memory_space<hbm>>
      %dma_start3A_272 = arith.constant 0 : i32
      %dma_start3A_273 = tpu.memref_slice %arg7[%add3A_265, %dma_start3A_272] : memref<512x64xf32, #tpu.memory_space<vmem>> -> memref<1x64xf32, #tpu.memory_space<vmem>>
      tpu.enqueue_dma source(%dma_start3A_273 : memref<1x64xf32, #tpu.memory_space<vmem>>) target(%dma_start3A_271 : memref<1x64xf32, #tpu.memory_space<hbm>>) target_semaphore(%arg9 : memref<!tpu.dma_semaphore, #tpu.memory_space<semaphore_mem>>)
      %eq3A_274 = arith.constant 10 : i32
      %eq3A_275 = vector.broadcast %eq3A_274 : i32 to vector<16xi32>
      %eq3A_276 = arith.cmpi eq, %iota3A, %eq3A_275 : vector<16xi32>
      %jit3A_277 = arith.constant 0 : i32
      %broadcast_in_dim3A_278 = vector.broadcast %jit3A_277 : i32 to vector<16xi32>
      %select_n3A_279 = arith.select %eq3A_276, %get3A_19, %broadcast_in_dim3A_278 : vector<16xi1>, vector<16xi32>
      %reduce_max3A_280 = arith.constant true
      %reduce_max3A_281 = vector.broadcast %reduce_max3A_280 : i1 to vector<16xi1>
      %reduce_max3A_282 = arith.constant -2147483648 : i32
      %reduce_max3A_283 = vector.broadcast %reduce_max3A_282 : i32 to vector<16xi32>
      %reduce_max3A_284 = arith.xori %select_n3A_279, %reduce_max3A_283 : vector<16xi32>
      %reduce_max3A_285 = tpu.scan <max>, %reduce_max3A_284 masked %reduce_max3A_281 : vector<16xi32>, vector<16xi1> -> vector<16xi32>
      %reduce_max3A_286 = arith.xori %reduce_max3A_285, %reduce_max3A_283 : vector<16xi32>
      %reduce_max3A_287 = vector.extract %reduce_max3A_286[15] : i32 from vector<16xi32>
      %mul3A_288 = arith.constant 16 : i32
      %mul3A_289 = arith.muli %add3A_16, %mul3A_288 : i32
      %add3A_290 = arith.constant 10 : i32
      %add3A_291 = arith.addi %mul3A_289, %add3A_290 : i32
      %dma_start3A_292 = arith.constant 0 : i32
      %dma_start3A_293 = tpu.memref_slice %arg7[%add3A_291, %dma_start3A_292] : memref<512x64xf32, #tpu.memory_space<vmem>> -> memref<1x64xf32, #tpu.memory_space<vmem>>
      %dma_start3A_294 = arith.constant 0 : i32
      %dma_start3A_295 = tpu.memref_slice %arg4[%reduce_max3A_287, %dma_start3A_294] : memref<1000000x64xf32, #tpu.memory_space<hbm>> -> memref<1x64xf32, #tpu.memory_space<hbm>>
      %dma_start3A_296 = arith.constant 0 : i32
      %dma_start3A_297 = tpu.memref_slice %arg4[%reduce_max3A_287, %dma_start3A_296] : memref<1000000x64xf32, #tpu.memory_space<hbm>> -> memref<1x64xf32, #tpu.memory_space<hbm>>
      %dma_start3A_298 = arith.constant 0 : i32
      %dma_start3A_299 = tpu.memref_slice %arg7[%add3A_291, %dma_start3A_298] : memref<512x64xf32, #tpu.memory_space<vmem>> -> memref<1x64xf32, #tpu.memory_space<vmem>>
      tpu.enqueue_dma source(%dma_start3A_299 : memref<1x64xf32, #tpu.memory_space<vmem>>) target(%dma_start3A_297 : memref<1x64xf32, #tpu.memory_space<hbm>>) target_semaphore(%arg9 : memref<!tpu.dma_semaphore, #tpu.memory_space<semaphore_mem>>)
      %eq3A_300 = arith.constant 11 : i32
      %eq3A_301 = vector.broadcast %eq3A_300 : i32 to vector<16xi32>
      %eq3A_302 = arith.cmpi eq, %iota3A, %eq3A_301 : vector<16xi32>
      %jit3A_303 = arith.constant 0 : i32
      %broadcast_in_dim3A_304 = vector.broadcast %jit3A_303 : i32 to vector<16xi32>
      %select_n3A_305 = arith.select %eq3A_302, %get3A_19, %broadcast_in_dim3A_304 : vector<16xi1>, vector<16xi32>
      %reduce_max3A_306 = arith.constant true
      %reduce_max3A_307 = vector.broadcast %reduce_max3A_306 : i1 to vector<16xi1>
      %reduce_max3A_308 = arith.constant -2147483648 : i32
      %reduce_max3A_309 = vector.broadcast %reduce_max3A_308 : i32 to vector<16xi32>
      %reduce_max3A_310 = arith.xori %select_n3A_305, %reduce_max3A_309 : vector<16xi32>
      %reduce_max3A_311 = tpu.scan <max>, %reduce_max3A_310 masked %reduce_max3A_307 : vector<16xi32>, vector<16xi1> -> vector<16xi32>
      %reduce_max3A_312 = arith.xori %reduce_max3A_311, %reduce_max3A_309 : vector<16xi32>
      %reduce_max3A_313 = vector.extract %reduce_max3A_312[15] : i32 from vector<16xi32>
      %mul3A_314 = arith.constant 16 : i32
      %mul3A_315 = arith.muli %add3A_16, %mul3A_314 : i32
      %add3A_316 = arith.constant 11 : i32
      %add3A_317 = arith.addi %mul3A_315, %add3A_316 : i32
      %dma_start3A_318 = arith.constant 0 : i32
      %dma_start3A_319 = tpu.memref_slice %arg7[%add3A_317, %dma_start3A_318] : memref<512x64xf32, #tpu.memory_space<vmem>> -> memref<1x64xf32, #tpu.memory_space<vmem>>
      %dma_start3A_320 = arith.constant 0 : i32
      %dma_start3A_321 = tpu.memref_slice %arg4[%reduce_max3A_313, %dma_start3A_320] : memref<1000000x64xf32, #tpu.memory_space<hbm>> -> memref<1x64xf32, #tpu.memory_space<hbm>>
      %dma_start3A_322 = arith.constant 0 : i32
      %dma_start3A_323 = tpu.memref_slice %arg4[%reduce_max3A_313, %dma_start3A_322] : memref<1000000x64xf32, #tpu.memory_space<hbm>> -> memref<1x64xf32, #tpu.memory_space<hbm>>
      %dma_start3A_324 = arith.constant 0 : i32
      %dma_start3A_325 = tpu.memref_slice %arg7[%add3A_317, %dma_start3A_324] : memref<512x64xf32, #tpu.memory_space<vmem>> -> memref<1x64xf32, #tpu.memory_space<vmem>>
      tpu.enqueue_dma source(%dma_start3A_325 : memref<1x64xf32, #tpu.memory_space<vmem>>) target(%dma_start3A_323 : memref<1x64xf32, #tpu.memory_space<hbm>>) target_semaphore(%arg9 : memref<!tpu.dma_semaphore, #tpu.memory_space<semaphore_mem>>)
      %eq3A_326 = arith.constant 12 : i32
      %eq3A_327 = vector.broadcast %eq3A_326 : i32 to vector<16xi32>
      %eq3A_328 = arith.cmpi eq, %iota3A, %eq3A_327 : vector<16xi32>
      %jit3A_329 = arith.constant 0 : i32
      %broadcast_in_dim3A_330 = vector.broadcast %jit3A_329 : i32 to vector<16xi32>
      %select_n3A_331 = arith.select %eq3A_328, %get3A_19, %broadcast_in_dim3A_330 : vector<16xi1>, vector<16xi32>
      %reduce_max3A_332 = arith.constant true
      %reduce_max3A_333 = vector.broadcast %reduce_max3A_332 : i1 to vector<16xi1>
      %reduce_max3A_334 = arith.constant -2147483648 : i32
      %reduce_max3A_335 = vector.broadcast %reduce_max3A_334 : i32 to vector<16xi32>
      %reduce_max3A_336 = arith.xori %select_n3A_331, %reduce_max3A_335 : vector<16xi32>
      %reduce_max3A_337 = tpu.scan <max>, %reduce_max3A_336 masked %reduce_max3A_333 : vector<16xi32>, vector<16xi1> -> vector<16xi32>
      %reduce_max3A_338 = arith.xori %reduce_max3A_337, %reduce_max3A_335 : vector<16xi32>
      %reduce_max3A_339 = vector.extract %reduce_max3A_338[15] : i32 from vector<16xi32>
      %mul3A_340 = arith.constant 16 : i32
      %mul3A_341 = arith.muli %add3A_16, %mul3A_340 : i32
      %add3A_342 = arith.constant 12 : i32
      %add3A_343 = arith.addi %mul3A_341, %add3A_342 : i32
      %dma_start3A_344 = arith.constant 0 : i32
      %dma_start3A_345 = tpu.memref_slice %arg7[%add3A_343, %dma_start3A_344] : memref<512x64xf32, #tpu.memory_space<vmem>> -> memref<1x64xf32, #tpu.memory_space<vmem>>
      %dma_start3A_346 = arith.constant 0 : i32
      %dma_start3A_347 = tpu.memref_slice %arg4[%reduce_max3A_339, %dma_start3A_346] : memref<1000000x64xf32, #tpu.memory_space<hbm>> -> memref<1x64xf32, #tpu.memory_space<hbm>>
      %dma_start3A_348 = arith.constant 0 : i32
      %dma_start3A_349 = tpu.memref_slice %arg4[%reduce_max3A_339, %dma_start3A_348] : memref<1000000x64xf32, #tpu.memory_space<hbm>> -> memref<1x64xf32, #tpu.memory_space<hbm>>
      %dma_start3A_350 = arith.constant 0 : i32
      %dma_start3A_351 = tpu.memref_slice %arg7[%add3A_343, %dma_start3A_350] : memref<512x64xf32, #tpu.memory_space<vmem>> -> memref<1x64xf32, #tpu.memory_space<vmem>>
      tpu.enqueue_dma source(%dma_start3A_351 : memref<1x64xf32, #tpu.memory_space<vmem>>) target(%dma_start3A_349 : memref<1x64xf32, #tpu.memory_space<hbm>>) target_semaphore(%arg9 : memref<!tpu.dma_semaphore, #tpu.memory_space<semaphore_mem>>)
      %eq3A_352 = arith.constant 13 : i32
      %eq3A_353 = vector.broadcast %eq3A_352 : i32 to vector<16xi32>
      %eq3A_354 = arith.cmpi eq, %iota3A, %eq3A_353 : vector<16xi32>
      %jit3A_355 = arith.constant 0 : i32
      %broadcast_in_dim3A_356 = vector.broadcast %jit3A_355 : i32 to vector<16xi32>
      %select_n3A_357 = arith.select %eq3A_354, %get3A_19, %broadcast_in_dim3A_356 : vector<16xi1>, vector<16xi32>
      %reduce_max3A_358 = arith.constant true
      %reduce_max3A_359 = vector.broadcast %reduce_max3A_358 : i1 to vector<16xi1>
      %reduce_max3A_360 = arith.constant -2147483648 : i32
      %reduce_max3A_361 = vector.broadcast %reduce_max3A_360 : i32 to vector<16xi32>
      %reduce_max3A_362 = arith.xori %select_n3A_357, %reduce_max3A_361 : vector<16xi32>
      %reduce_max3A_363 = tpu.scan <max>, %reduce_max3A_362 masked %reduce_max3A_359 : vector<16xi32>, vector<16xi1> -> vector<16xi32>
      %reduce_max3A_364 = arith.xori %reduce_max3A_363, %reduce_max3A_361 : vector<16xi32>
      %reduce_max3A_365 = vector.extract %reduce_max3A_364[15] : i32 from vector<16xi32>
      %mul3A_366 = arith.constant 16 : i32
      %mul3A_367 = arith.muli %add3A_16, %mul3A_366 : i32
      %add3A_368 = arith.constant 13 : i32
      %add3A_369 = arith.addi %mul3A_367, %add3A_368 : i32
      %dma_start3A_370 = arith.constant 0 : i32
      %dma_start3A_371 = tpu.memref_slice %arg7[%add3A_369, %dma_start3A_370] : memref<512x64xf32, #tpu.memory_space<vmem>> -> memref<1x64xf32, #tpu.memory_space<vmem>>
      %dma_start3A_372 = arith.constant 0 : i32
      %dma_start3A_373 = tpu.memref_slice %arg4[%reduce_max3A_365, %dma_start3A_372] : memref<1000000x64xf32, #tpu.memory_space<hbm>> -> memref<1x64xf32, #tpu.memory_space<hbm>>
      %dma_start3A_374 = arith.constant 0 : i32
      %dma_start3A_375 = tpu.memref_slice %arg4[%reduce_max3A_365, %dma_start3A_374] : memref<1000000x64xf32, #tpu.memory_space<hbm>> -> memref<1x64xf32, #tpu.memory_space<hbm>>
      %dma_start3A_376 = arith.constant 0 : i32
      %dma_start3A_377 = tpu.memref_slice %arg7[%add3A_369, %dma_start3A_376] : memref<512x64xf32, #tpu.memory_space<vmem>> -> memref<1x64xf32, #tpu.memory_space<vmem>>
      tpu.enqueue_dma source(%dma_start3A_377 : memref<1x64xf32, #tpu.memory_space<vmem>>) target(%dma_start3A_375 : memref<1x64xf32, #tpu.memory_space<hbm>>) target_semaphore(%arg9 : memref<!tpu.dma_semaphore, #tpu.memory_space<semaphore_mem>>)
      %eq3A_378 = arith.constant 14 : i32
      %eq3A_379 = vector.broadcast %eq3A_378 : i32 to vector<16xi32>
      %eq3A_380 = arith.cmpi eq, %iota3A, %eq3A_379 : vector<16xi32>
      %jit3A_381 = arith.constant 0 : i32
      %broadcast_in_dim3A_382 = vector.broadcast %jit3A_381 : i32 to vector<16xi32>
      %select_n3A_383 = arith.select %eq3A_380, %get3A_19, %broadcast_in_dim3A_382 : vector<16xi1>, vector<16xi32>
      %reduce_max3A_384 = arith.constant true
      %reduce_max3A_385 = vector.broadcast %reduce_max3A_384 : i1 to vector<16xi1>
      %reduce_max3A_386 = arith.constant -2147483648 : i32
      %reduce_max3A_387 = vector.broadcast %reduce_max3A_386 : i32 to vector<16xi32>
      %reduce_max3A_388 = arith.xori %select_n3A_383, %reduce_max3A_387 : vector<16xi32>
      %reduce_max3A_389 = tpu.scan <max>, %reduce_max3A_388 masked %reduce_max3A_385 : vector<16xi32>, vector<16xi1> -> vector<16xi32>
      %reduce_max3A_390 = arith.xori %reduce_max3A_389, %reduce_max3A_387 : vector<16xi32>
      %reduce_max3A_391 = vector.extract %reduce_max3A_390[15] : i32 from vector<16xi32>
      %mul3A_392 = arith.constant 16 : i32
      %mul3A_393 = arith.muli %add3A_16, %mul3A_392 : i32
      %add3A_394 = arith.constant 14 : i32
      %add3A_395 = arith.addi %mul3A_393, %add3A_394 : i32
      %dma_start3A_396 = arith.constant 0 : i32
      %dma_start3A_397 = tpu.memref_slice %arg7[%add3A_395, %dma_start3A_396] : memref<512x64xf32, #tpu.memory_space<vmem>> -> memref<1x64xf32, #tpu.memory_space<vmem>>
      %dma_start3A_398 = arith.constant 0 : i32
      %dma_start3A_399 = tpu.memref_slice %arg4[%reduce_max3A_391, %dma_start3A_398] : memref<1000000x64xf32, #tpu.memory_space<hbm>> -> memref<1x64xf32, #tpu.memory_space<hbm>>
      %dma_start3A_400 = arith.constant 0 : i32
      %dma_start3A_401 = tpu.memref_slice %arg4[%reduce_max3A_391, %dma_start3A_400] : memref<1000000x64xf32, #tpu.memory_space<hbm>> -> memref<1x64xf32, #tpu.memory_space<hbm>>
      %dma_start3A_402 = arith.constant 0 : i32
      %dma_start3A_403 = tpu.memref_slice %arg7[%add3A_395, %dma_start3A_402] : memref<512x64xf32, #tpu.memory_space<vmem>> -> memref<1x64xf32, #tpu.memory_space<vmem>>
      tpu.enqueue_dma source(%dma_start3A_403 : memref<1x64xf32, #tpu.memory_space<vmem>>) target(%dma_start3A_401 : memref<1x64xf32, #tpu.memory_space<hbm>>) target_semaphore(%arg9 : memref<!tpu.dma_semaphore, #tpu.memory_space<semaphore_mem>>)
      %eq3A_404 = arith.constant 15 : i32
      %eq3A_405 = vector.broadcast %eq3A_404 : i32 to vector<16xi32>
      %eq3A_406 = arith.cmpi eq, %iota3A, %eq3A_405 : vector<16xi32>
      %jit3A_407 = arith.constant 0 : i32
      %broadcast_in_dim3A_408 = vector.broadcast %jit3A_407 : i32 to vector<16xi32>
      %select_n3A_409 = arith.select %eq3A_406, %get3A_19, %broadcast_in_dim3A_408 : vector<16xi1>, vector<16xi32>
      %reduce_max3A_410 = arith.constant true
      %reduce_max3A_411 = vector.broadcast %reduce_max3A_410 : i1 to vector<16xi1>
      %reduce_max3A_412 = arith.constant -2147483648 : i32
      %reduce_max3A_413 = vector.broadcast %reduce_max3A_412 : i32 to vector<16xi32>
      %reduce_max3A_414 = arith.xori %select_n3A_409, %reduce_max3A_413 : vector<16xi32>
      %reduce_max3A_415 = tpu.scan <max>, %reduce_max3A_414 masked %reduce_max3A_411 : vector<16xi32>, vector<16xi1> -> vector<16xi32>
      %reduce_max3A_416 = arith.xori %reduce_max3A_415, %reduce_max3A_413 : vector<16xi32>
      %reduce_max3A_417 = vector.extract %reduce_max3A_416[15] : i32 from vector<16xi32>
      %mul3A_418 = arith.constant 16 : i32
      %mul3A_419 = arith.muli %add3A_16, %mul3A_418 : i32
      %add3A_420 = arith.constant 15 : i32
      %add3A_421 = arith.addi %mul3A_419, %add3A_420 : i32
      %dma_start3A_422 = arith.constant 0 : i32
      %dma_start3A_423 = tpu.memref_slice %arg7[%add3A_421, %dma_start3A_422] : memref<512x64xf32, #tpu.memory_space<vmem>> -> memref<1x64xf32, #tpu.memory_space<vmem>>
      %dma_start3A_424 = arith.constant 0 : i32
      %dma_start3A_425 = tpu.memref_slice %arg4[%reduce_max3A_417, %dma_start3A_424] : memref<1000000x64xf32, #tpu.memory_space<hbm>> -> memref<1x64xf32, #tpu.memory_space<hbm>>
      %dma_start3A_426 = arith.constant 0 : i32
      %dma_start3A_427 = tpu.memref_slice %arg4[%reduce_max3A_417, %dma_start3A_426] : memref<1000000x64xf32, #tpu.memory_space<hbm>> -> memref<1x64xf32, #tpu.memory_space<hbm>>
      %dma_start3A_428 = arith.constant 0 : i32
      %dma_start3A_429 = tpu.memref_slice %arg7[%add3A_421, %dma_start3A_428] : memref<512x64xf32, #tpu.memory_space<vmem>> -> memref<1x64xf32, #tpu.memory_space<vmem>>
      tpu.enqueue_dma source(%dma_start3A_429 : memref<1x64xf32, #tpu.memory_space<vmem>>) target(%dma_start3A_427 : memref<1x64xf32, #tpu.memory_space<hbm>>) target_semaphore(%arg9 : memref<!tpu.dma_semaphore, #tpu.memory_space<semaphore_mem>>)
    }
    %scan3A_6 = arith.constant 32 : i32
    %scan3A_7 = arith.constant 0 : i32
    %scan3A_8 = arith.constant 512 : i32
    %scan3A_9 = arith.addi %scan3A_7, %scan3A_8 : i32
    %scan3A_10 = arith.constant 1 : i32
    scf.for %scan3A_12 = %scan3A_7 to %scan3A_9 step %scan3A_10  : i32 {
      %mul3A_13 = arith.constant 1 : i32
      %mul3A_14 = arith.muli %scan3A_12, %mul3A_13 : i32
      %add3A_15 = arith.constant 0 : i32
      %add3A_16 = arith.addi %add3A_15, %mul3A_14 : i32
      %dma_wait3A = arith.constant 0 : i32
      %dma_wait3A_17 = arith.constant 0 : i32
      %dma_wait3A_18 = tpu.memref_slice %arg7[%dma_wait3A, %dma_wait3A_17] : memref<512x64xf32, #tpu.memory_space<vmem>> -> memref<1x64xf32, #tpu.memory_space<vmem>>
      %dma_wait3A_19 = arith.constant 0 : i32
      %dma_wait3A_20 = arith.constant 0 : i32
      %dma_wait3A_21 = tpu.memref_slice %arg4[%dma_wait3A_19, %dma_wait3A_20] : memref<1000000x64xf32, #tpu.memory_space<hbm>> -> memref<1x64xf32, #tpu.memory_space<hbm>>
      %dma_wait3A_22 = arith.constant 0 : i32
      %dma_wait3A_23 = arith.constant 0 : i32
      %dma_wait3A_24 = tpu.memref_slice %arg7[%dma_wait3A_22, %dma_wait3A_23] : memref<512x64xf32, #tpu.memory_space<vmem>> -> memref<1x64xf32, #tpu.memory_space<vmem>>
      %dma_wait3A_25 = arith.constant 0 : i32
      %dma_wait3A_26 = arith.constant 0 : i32
      %dma_wait3A_27 = tpu.memref_slice %arg4[%dma_wait3A_25, %dma_wait3A_26] : memref<1000000x64xf32, #tpu.memory_space<hbm>> -> memref<1x64xf32, #tpu.memory_space<hbm>>
      tpu.wait_dma2 semaphore(%arg9 : memref<!tpu.dma_semaphore, #tpu.memory_space<semaphore_mem>>) src(%dma_wait3A_27 : memref<1x64xf32, #tpu.memory_space<hbm>>) dst(%dma_wait3A_24 : memref<1x64xf32, #tpu.memory_space<vmem>>)
    }
    %scan3A_11 = arith.constant 512 : i32
    return
  }
}

module attributes {stable_mosaic.version = 14 : i64} {
  func.func @_mlp_body(%arg0: memref<16384x64xf32, #tpu.memory_space<vmem>>, %arg1: memref<32x64xf32, #tpu.memory_space<vmem>>, %arg2: memref<1x32xf32, #tpu.memory_space<vmem>>, %arg3: memref<64x32xf32, #tpu.memory_space<vmem>>, %arg4: memref<1x64xf32, #tpu.memory_space<vmem>>, %arg5: memref<16384x64xf32, #tpu.memory_space<vmem>>) attributes {dimension_semantics = [], scalar_prefetch = 0 : i64, scratch_operands = 0 : i64, tpu.core_type = #tpu.core_type<tc>} {
    %get3A = arith.constant 0 : index
    %get3A_0 = arith.constant 0 : index
    %get3A_1 = vector.load %arg0[%get3A, %get3A_0] : memref<16384x64xf32, #tpu.memory_space<vmem>>, vector<16384x64xf32>
    %get3A_2 = arith.constant 0 : index
    %get3A_3 = arith.constant 0 : index
    %get3A_4 = vector.load %arg1[%get3A_2, %get3A_3] : memref<32x64xf32, #tpu.memory_space<vmem>>, vector<32x64xf32>
    %dot_general3A = arith.constant dense<0.000000e+00> : vector<16384x32xf32>
    %dot_general3A_5 = tpu.matmul %get3A_1, %get3A_4, %dot_general3A {dimension_numbers = #tpu.dot_dimension_numbers<[1], [1], [0], [0], [0, 0, 1, 0], [], []>, transpose_lhs_hint = false} : vector<16384x64xf32>, vector<32x64xf32>, vector<16384x32xf32> -> vector<16384x32xf32>
    %get3A_6 = arith.constant 0 : index
    %get3A_7 = arith.constant 0 : index
    %get3A_8 = vector.load %arg2[%get3A_6, %get3A_7] : memref<1x32xf32, #tpu.memory_space<vmem>>, vector<1x32xf32>
    %add3A = vector.broadcast %get3A_8 : vector<1x32xf32> to vector<16384x32xf32>
    %add3A_9 = arith.addf %dot_general3A_5, %add3A : vector<16384x32xf32>
    %ge3A = arith.constant 0.000000e+00 : f32
    %ge3A_10 = vector.broadcast %ge3A : f32 to vector<16384x32xf32>
    %ge3A_11 = arith.cmpf oge, %add3A_9, %ge3A_10 : vector<16384x32xf32>
    %mul3A = arith.constant 0.00999999977 : f32
    %mul3A_12 = vector.broadcast %mul3A : f32 to vector<16384x32xf32>
    %mul3A_13 = arith.mulf %mul3A_12, %add3A_9 : vector<16384x32xf32>
    %select_n3A = arith.select %ge3A_11, %add3A_9, %mul3A_13 : vector<16384x32xi1>, vector<16384x32xf32>
    %get3A_14 = arith.constant 0 : index
    %get3A_15 = arith.constant 0 : index
    %get3A_16 = vector.load %arg3[%get3A_14, %get3A_15] : memref<64x32xf32, #tpu.memory_space<vmem>>, vector<64x32xf32>
    %dot_general3A_17 = arith.constant dense<0.000000e+00> : vector<16384x64xf32>
    %dot_general3A_18 = tpu.matmul %select_n3A, %get3A_16, %dot_general3A_17 {dimension_numbers = #tpu.dot_dimension_numbers<[1], [1], [0], [0], [0, 0, 1, 0], [], []>, transpose_lhs_hint = false} : vector<16384x32xf32>, vector<64x32xf32>, vector<16384x64xf32> -> vector<16384x64xf32>
    %get3A_19 = arith.constant 0 : index
    %get3A_20 = arith.constant 0 : index
    %get3A_21 = vector.load %arg4[%get3A_19, %get3A_20] : memref<1x64xf32, #tpu.memory_space<vmem>>, vector<1x64xf32>
    %add3A_22 = vector.broadcast %get3A_21 : vector<1x64xf32> to vector<16384x64xf32>
    %add3A_23 = arith.addf %dot_general3A_18, %add3A_22 : vector<16384x64xf32>
    %swap3A = arith.constant 0 : index
    %swap3A_24 = arith.constant 0 : index
    %swap3A_25 = vector.load %arg5[%swap3A, %swap3A_24] : memref<16384x64xf32, #tpu.memory_space<vmem>>, vector<16384x64xf32>
    tpu.vector_store %arg5[%swap3A, %swap3A_24], %add3A_23 {strides = array<i32>} : memref<16384x64xf32, #tpu.memory_space<vmem>>, vector<16384x64xf32>,
    return
  }
}

</mosaic_0001>

<sc_bundles>
// kernel: kernel.5.cloned.1.call-start
scs
__scs_entry_jumppad:
0x0: {  	(pc) =	sbr.rel $0x88, $3  }
0x1: {  	(tag) =	ssettag $0x0;
	lr =	simm.s32 $0x1  }
0x2: {  	[smem:$0x3F9B] =	sst lr;
	_ =	strace $0xD0000000  }
0x3: {  	_ = 	snop  }
0x4: {  	_ = 	snop  }
0x5: {  	_ = 	snop  }
0x6: {  	_ = 	snop  }
0x7: {  	_ = 	snop  }
__scs_overlays_trampoline_lowered:
0x8: {  	[smem:$0x3FAA] =	sst s0  }
0x9: {  	[smem:$0x3FAB] =	sst s1  }
0xa: {  	[smem:$0x3FAC] =	sst s2  }
0xb: {  	[smem:$0x3FAD] =	sst s3  }
0xc: {  	[smem:$0x3FAE] =	sst s4  }
0xd: {  	[smem:$0x3FAF] =	sst s5  }
0xe: {  	[smem:$0x3FB0] =	sst s6  }
0xf: {  	[smem:$0x3FB1] =	sst s7  }
0x10: {  	[smem:$0x3FB2] =	sst s8  }
0x11: {  	[smem:$0x3FB3] =	sst s9;
	s0 =	simm.s32 @!p0 $0x0  }
0x12: {  	s1 =	sld [smem:$0x3F99];
	s0 =	simm.s32 @p0 $0x1  }
0x13: {  	[smem:$0x3FB4] =	sst s0;
	s0 =	simm.s32 @!p1 $0x0  }
0x14: {  	s2 =	sld [smem:$0x3F98];
	s0 =	simm.s32 @p1 $0x1  }
0x15: {  	[smem:$0x3FB5] =	sst s0;
	s0 =	simm.s32 @!p2 $0x0  }
0x16: {  	s3 =	sld [smem:$0x3FDB];
	s0 =	simm.s32 @p2 $0x1  }
0x17: {  	s4 =	simm.s32 $0x1BF5;
	[smem:$0x3FB7] =	sst s0  }
0x18: {  	s0 =	sld [smem:$0x3F9A];
	_ =	swait.ge [sflag:s4], $0x0  }
0x19: {  	s7 =	sld [smem:$0x3F9B]  }
0x1a: {  	s8 =	sadd.s32 $0xFFFFE003, lr  }
0x1b: {  	s9 =	sadd.s32 $0xFFFFFEF7, lr;
	s5 =	simm.s32 $0xFFFFFFFF;
	p2 =	slt.u32 s8, $0xFFFFF086  }
0x1c: {  	p1 =	slt.u32 s9, $0xF7A;
	s5 =	simm.s32 @!p2 $0x0  }
0x1d: {  	s5 =	simm.s32 @p1 $0x1;
	p0 =	seq.s32 s7, s2  }
0x1e: {  	s7 =	smul.u32 @!p0 $0xF7A, s2;
	p2 =	seq.s32 @!p0 s5, $0x0  }
0x1f: {  	s9 =	smul.u32 $0xF7A, s1;
	s8 =	simm.s32 @!p0 $0x1BF5;
	p2 =	por !p2, p0  }
0x20: {  	[sflag:s8] =	ssyncset.s32 @!p0 $0xFFFFF086;
	s6 =	sadd.s32 @!p0 s3, s7;
	s7 =	simm.s32 @!p0 $0x108  }
0x21: {  	s3 =	sadd.s32 s3, s9;
	s6 =	sadd.s32 @!p0 $0x88, s6;
	s7 =	simm.s32 @p2 $0x1082  }
0x22: {  	[simem:s7], [sflag:s8] =	dma.local @!p0 [hbm:s6], $0xF7A  }
0x23: {  	s9 =	sor.u32 $0xD0000000, s2;
	s6 =	simm.s32 $0x108;
	_ =	swait.ge @!p0 [sflag:s8], $0x0  }
0x24: {  	s3 =	sadd.s32 $0x88, s3;
	s6 =	simm.s32 @!p1 $0x1082;
	[sflag:s4] =	ssyncset.s32 $0xFFFFF086  }
0x25: {  	[simem:s6], [sflag:s4] =	dma.local [hbm:s3], $0xF7A  }
0x26: {  	[smem:$0x3F9B] =	sst s1;
	(tag) =	ssettag s2;
	_ =	strace s9  }
0x27: {  	s1 =	sld [smem:$0x3FAB]  }
0x28: {  	s2 =	sld [smem:$0x3FAC]  }
0x29: {  	s4 =	sld [smem:$0x3FAE]  }
0x2a: {  	p0 =	seq.s32 s5, $0x0;
	s5 =	sld [smem:$0x3FAF]  }
0x2b: {  	s6 =	sld [smem:$0x3FB0]  }
0x2c: {  	s7 =	sld [smem:$0x3FB1]  }
0x2d: {  	s3 =	simm.s32 $0x108;
	s8 =	sld [smem:$0x3FB2]  }
0x2e: {  	s3 =	simm.s32 @!p0 $0x1082;
	s9 =	sld [smem:$0x3FB3]  }
0x2f: {  	lr =	sadd.s32 s0, s3;
	s0 =	sld [smem:$0x3FAA]  }
0x30: {  	s3 =	sld [smem:$0x3FAD]  }
0x31: {  	[smem:$0x3FB6] =	sst s10  }
0x32: {  	s10 =	sld [smem:$0x3FB4];
	_ =	sdelay $0x3  }
0x33: {  	p0 =	seq.s32 s10, $0x1;
	s10 =	sld [smem:$0x3FB6];
	_ =	sdelay $0x3  }
0x34: {  	[smem:$0x3FB6] =	sst s10  }
0x35: {  	s10 =	sld [smem:$0x3FB5];
	_ =	sdelay $0x3  }
0x36: {  	p1 =	seq.s32 s10, $0x1;
	s10 =	sld [smem:$0x3FB6];
	_ =	sdelay $0x3  }
0x37: {  	[smem:$0x3FB6] =	sst s10  }
0x38: {  	s10 =	sld [smem:$0x3FB7]  }
0x39: {  	_ = 	snop;
	(pc) =	sbr.ind lr, $3  }
0x3a: {  	_ = 	snop  }
0x3b: {  	_ = 	snop  }
0x3c: {  	p2 =	seq.s32 s10, $0x1;
	s10 =	sld [smem:$0x3FB6]  }
0x3d: {  	_ =	shalt  }
0x3e: {  	_ =	shalt  }
0x3f: {  	_ =	shalt  }
0x40: {  	_ =	shalt  }
0x41: {  	_ =	shalt  }
0x42: {  	_ =	shalt  }
0x43: {  	_ =	shalt  }
0x44: {  	_ =	shalt  }
0x45: {  	_ =	shalt  }
0x46: {  	_ =	shalt  }
0x47: {  	_ =	shalt  }
0x48: {  	_ =	shalt  }
0x49: {  	_ =	shalt  }
0x4a: {  	_ =	shalt  }
0x4b: {  	_ =	shalt  }
0x4c: {  	_ =	shalt  }
0x4d: {  	_ =	shalt  }
0x4e: {  	_ =	shalt  }
0x4f: {  	_ =	shalt  }
0x50: {  	_ =	shalt  }
0x51: {  	_ =	shalt  }
0x52: {  	_ =	shalt  }
0x53: {  	_ =	shalt  }
0x54: {  	_ =	shalt  }
0x55: {  	_ =	shalt  }
0x56: {  	_ =	shalt  }
0x57: {  	_ =	shalt  }
0x58: {  	_ =	shalt  }
0x59: {  	_ =	shalt  }
0x5a: {  	_ =	shalt  }
0x5b: {  	_ =	shalt  }
0x5c: {  	_ =	shalt  }
0x5d: {  	_ =	shalt  }
0x5e: {  	_ =	shalt  }
0x5f: {  	_ =	shalt  }
0x60: {  	_ =	shalt  }
0x61: {  	_ =	shalt  }
0x62: {  	_ =	shalt  }
0x63: {  	_ =	shalt  }
0x64: {  	_ =	shalt  }
0x65: {  	_ =	shalt  }
0x66: {  	_ =	shalt  }
0x67: {  	_ =	shalt  }
0x68: {  	_ =	shalt  }
0x69: {  	_ =	shalt  }
0x6a: {  	_ =	shalt  }
0x6b: {  	_ =	shalt  }
0x6c: {  	_ =	shalt  }
0x6d: {  	_ =	shalt  }
0x6e: {  	_ =	shalt  }
0x6f: {  	_ =	shalt  }
0x70: {  	_ =	shalt  }
0x71: {  	_ =	shalt  }
0x72: {  	_ =	shalt  }
0x73: {  	_ =	shalt  }
0x74: {  	_ =	shalt  }
0x75: {  	_ =	shalt  }
0x76: {  	_ =	shalt  }
0x77: {  	_ =	shalt  }
0x78: {  	_ =	shalt  }
0x79: {  	_ =	shalt  }
0x7a: {  	_ =	shalt  }
0x7b: {  	_ =	shalt  }
0x7c: {  	_ =	shalt  }
0x7d: {  	_ =	shalt  }
0x7e: {  	_ =	shalt  }
0x7f: {  	_ =	shalt  }
0x80: {  	_ =	shalt  }
0x81: {  	_ =	shalt  }
0x82: {  	_ =	shalt  }
0x83: {  	_ =	shalt  }
0x84: {  	_ =	shalt  }
0x85: {  	_ =	shalt  }
0x86: {  	_ =	shalt  }
0x87: {  	_ =	shalt  }
.Lfunc_end0:
.L_simem_size_0:
called_computation_lowered:
.L_overlay_start_0:
0x88: {  	s2 =	sld [smem:$0x3FD9]  }
0x89: {  	s3 =	sld [smem:$0x3FFE];
	_ =	sdelay $0x1  }
0x8a: {  	s1 =	srdreg.scid  }
0x8b: {  	s0 =	sand.u32 $0x1, s1  }
0x8c: {  	s17 =	sshll.u32 s0, $0xA;
	s2 =	sadd.s32 s3, s2  }
0x8d: {  	s2 =	sadd.s32 s2, s17  }
0x8e: {  	[smem:$0x3FC2] =	sst s2  }
0x8f: {  	_ = 	snop  }
0x90: {  	s2 =	sld [smem:$0x3FD0];
	(tm) =	ssettm $0x1  }
0x91: {  	s18 =	sld [smem:$0x3FFB];
	_ =	sdelay $0x3  }
0x92: {  	_ =	strace s18  }
0x93: {  	s3 =	sld [smem:$0x3FFC];
	_ =	sdelay $0x3  }
0x94: {  	_ =	strace s3  }
0x95: {  	s3 =	sld [smem:$0x3FFD];
	_ =	sdelay $0x3  }
0x96: {  	_ =	strace s3  }
0x97: {  	_ =	strace $0x8FFFFFFF  }
0x98: {  	s19 =	sld [smem:$0x3FDB];
	_ =	sdelay $0x1  }
0x99: {  	s4 =	simm.s32 $_scs_section_size  }
0x9a: {  	s5 =	simm.s32 $_size__tile_overlayer_lowered;
	s6 =	simm.s32 $_tile_overlayer_lowered  }
0x9b: {  	s22 =	simm.s32 $0x1BFF;
	s21 =	sshll.u32 s6, $0x1;
	s3 =	sadd.s32 s4, s19  }
0x9c: {  	s7 =	simm.s32 $0x0;
	s20 =	sshll.u32 s5, $0x1;
	s5 =	sadd.s32 s21, s3  }
0x9d: {  	[timem:s7], [sflag:s22] =	dma.local [hbm:s5], s20  }
0x9e: {  	_ =	swait.ge [sflag:s22], s20  }
0x9f: {  	s4 =	ssub.s32 $0x0, s20;
	[sflag:s22] =	ssyncset.done $0x0  }
0xa0: {  	[sflag:s22] =	ssyncadd.s32 s4;
	_ =	sdelay $0x1  }
0xa1: {  	s23 =	simm.s32 $0x1B8B  }
0xa2: {  	_ =	swait.ge [sflag:s23], $0x1  }
0xa3: {  	[sflag:s23] =	ssyncset.done $0x0  }
0xa4: {  	s25 =	simm.s32 $0x1B8E;
	s24 =	sld [smem:$0x3FFE];
	[sflag:s23] =	ssyncadd.s32 $0xFFFFFFFF  }
0xa5: {  	s26 =	simm.s32 $execute0_lowered;
	[smem:$0x3FD2] =	sst s25  }
0xa6: {  	s5 =	sshll.u32 s26, $0x1;
	_ =	strace $0x80000046;
	[dreg:$0x1] =	wrdreg $0xFFFFFFFF  }
0xa7: {  	s28 =	simm.s32 $_size_execute0_lowered;
	s3 =	sadd.s32 s3, s5;
	[dreg:$0x0] =	wrdreg $0x0  }
0xa8: {  	s5 =	sshll.u32 s28, $0x1;
	[dreg:$0x2] =	wrdreg s3  }
0xa9: {  	[dreg:$0x3] =	wrdreg s5  }
0xaa: {  	[dreg:$0x4] =	wrdreg $0xC0  }
0xab: {  	_ =	task [dreg:s7], $0x5FFFF  }
0xac: {  	[dreg:$0x1] =	wrdreg $0xFFFFFFFF  }
0xad: {  	[dreg:$0x0] =	wrdreg $0x60  }
0xae: {  	[dreg:$0x2] =	wrdreg s24  }
0xaf: {  	[dreg:$0x3] =	wrdreg s2  }
0xb0: {  	[dreg:$0x4] =	wrdreg $0x9  }
0xb1: {  	_ =	task.clear_ibuf [dreg:s7], $0x5FFFF;
	_ =	strace $0x90000046  }
0xb2: {  	s29 =	simm.s32 $0x9;
	_ =	strace $0x80000048  }
0xb3: {  	_ =	swait.ge [sflag:s29], $0x1  }
0xb4: {  	[sflag:s29] =	ssyncadd.s32 $0xFFFFFFFF  }
0xb5: {  	_ =	strace $0x90000048  }
0xb6: {  	_ =	sfence  }
0xb7: {  	s30 =	sld [smem:$0x0];
	_ =	sdelay $0x2  }
0xb8: {  	s31 =	sshll.u32 s1, $0xD;
	s1 =	sshrl.u32 s1, $0x2  }
0xb9: {  	s3 =	sand.u32 $0x4000, s31;
	s1 =	sadd.s32 s1, s30  }
0xba: {  	s0 =	sor.u32 s3, s0;
	s1 =	sshll.u32 s1, $0x11  }
0xbb: {  	s0 =	sor.u32 s1, s0  }
0xbc: {  	s0 =	sadd.s32 $0x8F2B, s0  }
0xbd: {  	[sflag:s0] =	ssyncadd.remote.s32 $0x1  }
0xbe: {  	_ =	sfence.sel $0xFFFF  }
0xbf: {  	[dreg:$0x0] =	wrdreg $0xFFFFFFFF;
	(pc) =	sbr.abs _section_cstart, $3  }
0xc0: {  	[dreg:$0x1] =	wrdreg $0xFFFFFFFF  }
0xc1: {  	_ =	task.clear_ibuf [dreg:s7], $0x2FFFF;
	_ =	strace $0x9FFFFFFF  }
0xc2: {  	(tm) =	ssettm $0x7FFFFFFF  }
0xc3: {  	_ =	shalt  }
tec
execute0_lowered:
.L_overlay_start_1:
0x0: {  	(tag) =	ssettag $0x1  }
0x1: {  	s0 =	rddreg [dreg:$0x0]  }
0x2: {  	s1 =	rddreg [dreg:$0x1];
	s2 =	simm.s32 $0x0  }
0x3: {  	s6 =	stileid.u32;
	s3 =	srdreg.scid;
	s9 =	simm.s32 $0x2  }
0x4: {  	s10 =	simm.s32 $0x1;
	s12 =	simm.s32 $0x0;
	[smem:$0x7FF] =	sst s2  }
0x5: {  	vm0 =	vmmov $0x1;
	s4 =	sand.u32 $0x1, s3;
	s5 =	sshll.u32 s6, $0x1;
	s3 =	sadd.s32 $0x1C00, s0  }
0x6: {  	vm1 =	vcmask $0x308;
	vm2 =	vcmask $0x70C;
	vm3 =	vcmask $0xB10;
	s6 =	sshll.u32 s6, $0x7;
	_ =	strace $0x80000047;
	s5 =	sor.u32 s4, s5  }
0x7: {  	vm4 =	vcmask $0xF14;
	vm5 =	vcmask $0x1318;
	vm6 =	vcmask $0x171C;
	s6 =	sand.u32 $0x600, s6;
	s4 =	ssub.s32 $0x2, s4;
	s7 =	sshll.u32 s5, $0x4  }
0x8: {  	vm7 =	vcmask $0x1B20;
	vm8 =	vcmask $0x1F24;
	vm9 =	vcmask $0x2328;
	s0 =	sadd.s32 s6, s0;
	s31 =	sshrl.u32 s4, $0x1;
	s7 =	sand.u32 $0x70, s7  }
0x9: {  	vm10 =	vcmask $0x272C;
	vm11 =	vcmask $0x2B30;
	vm12 =	vcmask $0x2F34;
	s5 =	sshll.u32 s5, $0xD;
	s6 =	ssub.s32 s4, s31;
	s0 =	sadd.s32 s7, s0  }
0xa: {  	vm13 =	vcmask $0x3338;
	vm14 =	vcmask $0x373C;
	vm15 =	vmmov $0x7fff;
	s5 =	sadd.s32 s1, s5;
	s6 =	smax.u32 s6, $0x1;
	s4 =	sadd.s32 $0x1400, s0  }
.LBB2_1:
0xb: {  	s0 =	simm.s32 $0x80;
	s1 =	simm.s32 $0x400  }
0xc: {  	[tilespmem:s2], [sflag:$0x2] =	stream.strided.gather [hbm4b:s4+s0], $0x200, s1, s0, $0x38;
	[tilespmem:$0x10200] =	vst v63  }
0xd: {  	_ =	swait.ge [sflag:s9], $0x200  }
0xe: {  	[sflag:s9] =	ssyncset.done $0x0  }
0xf: {  	[sflag:s9] =	ssyncadd.s32 $0xFFFFFE00  }
0x10: {  	v0 =	vld [tilespmem:s2+$0x0];
	_ =	sdelay $0x4  }
0x11: {  	v1 =	vsel vm3, $0x0, v0  }
0x12: {  	v2 =	vnsel vm0, $0x0, v0;
	v1 =	vxor.u32 $0x80000000, v1  }
0x13: {  	v2 =	vxor.u32 $0x80000000, v2;
	(xrf0) =	vmax.scan.msk.u32 $0xffff, v1;
	v1 =	vsel vm7, $0x0, v0  }
0x14: {  	(xrf0) =	vmax.scan.msk.u32 $0xffff, v2;
	v2 =	vsel vm1, $0x0, v0;
	v1 =	vxor.u32 $0x80000000, v1  }
0x15: {  	v2 =	vxor.u32 $0x80000000, v2;
	(xrf0) =	vmax.scan.msk.u32 $0xffff, v1;
	v1 =	vsel vm6, $0x0, v0  }
0x16: {  	(xrf0) =	vmax.scan.msk.u32 $0xffff, v2;
	v2 =	vsel vm2, $0x0, v0;
	v1 =	vxor.u32 $0x80000000, v1  }
0x17: {  	v2 =	vxor.u32 $0x80000000, v2;
	_ =	sdelay $0x1  }
0x18: {  	(xrf0) =	vmax.scan.msk.u32 $0xffff, v1;
	v1, _, _ =	vpop (xrf0)  }
0x19: {  	(xrf0) =	vmax.scan.msk.u32 $0xffff, v2;
	v2, _, _ =	vpop (xrf0);
	(v2sf) =	vpush v1, $0xF  }
0x1a: {  	(v2sf) =	vpush v2, $0xF;
	v1, _, _ =	vpop (xrf0)  }
0x1b: {  	(v2sf) =	vpush v1, $0xF;
	_ =	sdelay $0x2  }
0x1c: {  	v1 =	vsel vm4, $0x0, v0  }
0x1d: {  	v2, _, _ =	vpop (xrf0);
	v1 =	vxor.u32 $0x80000000, v1  }
0x1e: {  	v3 =	vsel vm5, $0x0, v0;
	(v2sf) =	vpush v2, $0xF;
	v2, _, _ =	vpop (xrf0);
	(xrf0) =	vmax.scan.msk.u32 $0xffff, v1  }
0x1f: {  	(v2sf) =	vpush v2, $0xF;
	v2 =	vxor.u32 $0x80000000, v3;
	v3 =	vsel vm8, $0x0, v0  }
0x20: {  	v1 =	vsel vm9, $0x0, v0;
	v3 =	vxor.u32 $0x80000000, v3;
	(xrf0) =	vmax.scan.msk.u32 $0xffff, v2  }
0x21: {  	v1 =	vxor.u32 $0x80000000, v1;
	v2 =	vsel vm10, $0x0, v0;
	(xrf0) =	vmax.scan.msk.u32 $0xffff, v3  }
0x22: {  	v4, _, _ =	vpop (xrf0);
	v2 =	vxor.u32 $0x80000000, v2;
	v3 =	vsel vm11, $0x0, v0;
	(xrf0) =	vmax.scan.msk.u32 $0xffff, v1  }
0x23: {  	(v2sf) =	vpush v4, $0xF;
	v3 =	vxor.u32 $0x80000000, v3;
	(xrf0) =	vmax.scan.msk.u32 $0xffff, v2  }
0x24: {  	(xrf0) =	vmax.scan.msk.u32 $0xffff, v3;
	v3 =	vsel vm14, $0x0, v0;
	v4, _, _ =	vpop (xrf0)  }
0x25: {  	v1 =	vsel vm12, $0x0, v0;
	(v2sf) =	vpush v4, $0xF  }
0x26: {  	v1 =	vxor.u32 $0x80000000, v1;
	s8 =	spop (v2sf)  }
0x27: {  	(xrf0) =	vmax.scan.msk.u32 $0xffff, v1;
	v1 =	vxor.u32 $0x80000000, v3;
	v3, _, _ =	vpop (xrf0);
	s7 =	spop (v2sf)  }
0x28: {  	s14 =	simm.s32 $0x2000;
	v2 =	vsel vm13, $0x0, v0;
	s1 =	sshll.u32 s8, $0x4;
	s8 =	spop (v2sf);
	(v2sf) =	vpush v3, $0xF  }
0x29: {  	s13 =	simm.s32 $0x0;
	s19 =	simm.s32 $0x300;
	s16 =	simm.s32 $0x400;
	v2 =	vxor.u32 $0x80000000, v2  }
0x2a: {  	s30 =	simm.s32 $0x200;
	s23 =	simm.s32 $0x280;
	s17 =	simm.s32 $0x480;
	v0 =	vsel vm15, $0x0, v0;
	(xrf0) =	vmax.scan.msk.u32 $0xffff, v2  }
0x2b: {  	s20 =	simm.s32 $0x500;
	s25 =	simm.s32 $0x380;
	s18 =	simm.s32 $0x880;
	v0 =	vxor.u32 $0x80000000, v0;
	v5, _, _ =	vpop (xrf0);
	(xrf0) =	vmax.scan.msk.u32 $0xffff, v1  }
0x2c: {  	s15 =	simm.s32 $0x10;
	s24 =	simm.s32 $0x700;
	s22 =	simm.s32 $0x780;
	v6, _, _ =	vpop (xrf0);
	(xrf0) =	vmax.scan.msk.u32 $0xffff, v0;
	(v2sf) =	vpush v5, $0xF  }
0x2d: {  	s21 =	simm.s32 $0x800;
	s28 =	simm.s32 $0x600;
	v7, _, _ =	vpop (xrf0);
	s7 =	sshll.u32 s7, $0x4  }
0x2e: {  	s26 =	simm.s32 $0x680;
	s29 =	simm.s32 $0x580;
	v4, _, _ =	vpop (xrf0);
	s7 =	sand.u32 $0x1FFFFFF0, s7;
	(v2sf) =	vpush v6, $0xF  }
0x2f: {  	v3, _, _ =	vpop (xrf0);
	s31 =	sand.u32 $0x1FFFFFF0, s1;
	s11 =	spop (v2sf);
	s7 =	sadd.s32 s3, s7  }
0x30: {  	v2, _, _ =	vpop (xrf0);
	[tilespmem:s30], [sflag:$0x1] =	stream.linear.gather [hbm4b:s7+s2], $0x80, $0x38;
	[tilespmem:$0x10200] =	vst v63  }
0x31: {  	s0 =	sshll.u32 s8, $0x4;
	v1, _, _ =	vpop (xrf0);
	s1 =	sshll.u32 s11, $0x4;
	s30 =	spop (v2sf)  }
0x32: {  	v0, _, _ =	vpop (xrf0);
	s7 =	sand.u32 $0x1FFFFFF0, s1;
	(v2sf) =	vpush v7, $0xF;
	s1 =	sshll.u32 s30, $0x4;
	s8 =	spop (v2sf)  }
.LBB2_2:
0x33: {  	s7 =	sadd.s32 s3, s7  }
0x34: {  	s8 =	sshll.u32 s8, $0x4;
	s11 =	spop (v2sf);
	(v2sf) =	vpush v4, $0xF;
	s30 =	smov.u32 s14  }
0x35: {  	[tilespmem:s23], [sflag:$0x1] =	stream.linear.gather [hbm4b:s7+s2], $0x80, $0x38;
	[tilespmem:$0x10200] =	vst v63  }
0x36: {  	s1 =	sand.u32 $0x1FFFFFF0, s1;
	s7 =	sand.u32 $0x1FFFFFF0, s8;
	s8 =	sshll.u32 s11, $0x4  }
0x37: {  	s7 =	sadd.s32 s3, s7;
	s8 =	sand.u32 $0x1FFFFFF0, s8;
	s11 =	spop (v2sf)  }
0x38: {  	[tilespmem:s19], [sflag:$0x1] =	stream.linear.gather [hbm4b:s7+s2], $0x80, $0x38;
	(v2sf) =	vpush v3, $0xF;
	[tilespmem:$0x10200] =	vst v63  }
0x39: {  	s0 =	sand.u32 $0x1FFFFFF0, s0;
	s7 =	sadd.s32 s3, s31;
	s11 =	sshll.u32 s11, $0x4  }
0x3a: {  	[tilespmem:s25], [sflag:$0x1] =	stream.linear.gather [hbm4b:s7+s2], $0x80, $0x38;
	(v2sf) =	vpush v2, $0xF;
	[tilespmem:$0x10200] =	vst v63  }
0x3b: {  	s7 =	sadd.s32 s3, s8;
	s8 =	sand.u32 $0x1FFFFFF0, s11;
	s11 =	spop (v2sf)  }
0x3c: {  	[tilespmem:s16], [sflag:$0x1] =	stream.linear.gather [hbm4b:s7+s2], $0x80, $0x38;
	(v2sf) =	vpush v1, $0xF;
	[tilespmem:$0x10200] =	vst v63  }
0x3d: {  	s7 =	sadd.s32 s3, s8;
	s8 =	sshll.u32 s11, $0x4;
	s11 =	spop (v2sf)  }
0x3e: {  	[tilespmem:s17], [sflag:$0x1] =	stream.linear.gather [hbm4b:s7+s2], $0x80, $0x38;
	[tilespmem:$0x10200] =	vst v63  }
0x3f: {  	s1 =	sadd.s32 s3, s1;
	s7 =	sand.u32 $0x1FFFFFF0, s8;
	s8 =	sshll.u32 s11, $0x4;
	(v2sf) =	vpush v0, $0xF  }
0x40: {  	[tilespmem:s20], [sflag:$0x1] =	stream.linear.gather [hbm4b:s1+s2], $0x80, $0x38;
	[tilespmem:$0x10200] =	vst v63  }
0x41: {  	s0 =	sadd.s32 s3, s0;
	s1 =	sand.u32 $0x1FFFFFF0, s8;
	s8 =	spop (v2sf)  }
0x42: {  	[tilespmem:s29], [sflag:$0x1] =	stream.linear.gather [hbm4b:s0+s2], $0x80, $0x38;
	[tilespmem:$0x10200] =	vst v63  }
0x43: {  	s0 =	sadd.s32 s3, s7;
	s7 =	sshll.u32 s8, $0x4;
	s8 =	spop (v2sf)  }
0x44: {  	[tilespmem:s28], [sflag:$0x1] =	stream.linear.gather [hbm4b:s0+s2], $0x80, $0x38;
	[tilespmem:$0x10200] =	vst v63  }
0x45: {  	s0 =	sadd.s32 s3, s1;
	s1 =	sand.u32 $0x1FFFFFF0, s7;
	s7 =	sshll.u32 s8, $0x4  }
0x46: {  	[tilespmem:s26], [sflag:$0x1] =	stream.linear.gather [hbm4b:s0+s2], $0x80, $0x38;
	[tilespmem:$0x10200] =	vst v63  }
0x47: {  	s0 =	sadd.s32 s3, s1;
	s1 =	sand.u32 $0x1FFFFFF0, s7;
	s7 =	spop (v2sf)  }
0x48: {  	[tilespmem:s24], [sflag:$0x1] =	stream.linear.gather [hbm4b:s0+s2], $0x80, $0x38;
	[tilespmem:$0x10200] =	vst v63  }
0x49: {  	s0 =	sadd.s32 s3, s1;
	s1 =	sshll.u32 s7, $0x4;
	s7 =	spop (v2sf)  }
0x4a: {  	[tilespmem:s22], [sflag:$0x1] =	stream.linear.gather [hbm4b:s0+s2], $0x80, $0x38;
	[tilespmem:$0x10200] =	vst v63  }
0x4b: {  	s0 =	sand.u32 $0x1FFFFFF0, s1;
	s1 =	sshll.u32 s7, $0x4;
	s7 =	spop (v2sf)  }
0x4c: {  	s0 =	sadd.s32 s3, s0;
	s1 =	sand.u32 $0x1FFFFFF0, s1;
	s7 =	sshll.u32 s7, $0x4  }
0x4d: {  	[tilespmem:s21], [sflag:$0x1] =	stream.linear.gather [hbm4b:s0+s2], $0x80, $0x38;
	[tilespmem:$0x10200] =	vst v63  }
0x4e: {  	s0 =	sadd.s32 s3, s1;
	s1 =	sand.u32 $0x1FFFFFF0, s7;
	s7 =	spop (v2sf)  }
0x4f: {  	[tilespmem:s18], [sflag:$0x1] =	stream.linear.gather [hbm4b:s0+s2], $0x80, $0x38;
	[tilespmem:$0x10200] =	vst v63  }
0x50: {  	s1 =	sadd.s32 s3, s1;
	s0 =	sadd.s32 $0x900, s13;
	s7 =	sshll.u32 s7, $0x4  }
0x51: {  	[tilespmem:s0], [sflag:$0x1] =	stream.linear.gather [hbm4b:s1+s2], $0x80, $0x38;
	[tilespmem:$0x10200] =	vst v63  }
0x52: {  	p0 =	sne.s32 s14, $0x3E000;
	s14 =	sadd.s32 $0x2000, s14;
	s0 =	sand.u32 $0x1FFFFFF0, s7  }
0x53: {  	s1 =	sadd.s32 $0x980, s13;
	s0 =	sadd.s32 s3, s0  }
0x54: {  	[tilespmem:s1], [sflag:$0x1] =	stream.linear.gather [hbm4b:s0+s2], $0x80, $0x38;
	[tilespmem:$0x10200] =	vst v63  }
0x55: {  	_ = 	snop  }
0x56: {  	v0 =	vld [tilespmem:s15+$0x0];
	_ =	sdelay $0x2  }
0x57: {  	s13 =	sshra.s32 s30, $0x2  }
0x58: {  	s19 =	sadd.s32 $0x300, s13  }
0x59: {  	s16 =	sadd.s32 $0x400, s13;
	v1 =	vnsel vm0, $0x0, v0;
	v2 =	vsel vm3, $0x0, v0;
	v3 =	vsel vm14, $0x0, v0  }
0x5a: {  	s30 =	sadd.s32 $0x200, s13;
	s23 =	sadd.s32 $0x280, s13;
	v4 =	vsel vm6, $0x0, v0;
	v5 =	vsel vm13, $0x0, v0;
	v2 =	vxor.u32 $0x80000000, v2  }
0x5b: {  	v6 =	vsel vm7, $0x0, v0;
	v1 =	vxor.u32 $0x80000000, v1;
	v3 =	vxor.u32 $0x80000000, v3;
	(xrf0) =	vmax.scan.msk.u32 $0xffff, v2  }
0x5c: {  	s17 =	sadd.s32 $0x480, s13;
	v7 =	vsel vm2, $0x0, v0;
	v6 =	vxor.u32 $0x80000000, v6;
	v2 =	vsel vm1, $0x0, v0;
	(xrf0) =	vmax.scan.msk.u32 $0xffff, v1  }
0x5d: {  	v8 =	vsel vm5, $0x0, v0;
	v1 =	vxor.u32 $0x80000000, v2;
	v2 =	vsel vm4, $0x0, v0;
	(xrf0) =	vmax.scan.msk.u32 $0xffff, v6  }
0x5e: {  	v4 =	vxor.u32 $0x80000000, v4;
	v2 =	vxor.u32 $0x80000000, v2;
	v6 =	vxor.u32 $0x80000000, v8;
	(xrf0) =	vmax.scan.msk.u32 $0xffff, v1  }
0x5f: {  	v8 =	vsel vm9, $0x0, v0;
	v1 =	vxor.u32 $0x80000000, v7;
	v7 =	vsel vm8, $0x0, v0;
	(xrf0) =	vmax.scan.msk.u32 $0xffff, v4  }
0x60: {  	v4 =	vxor.u32 $0x80000000, v7;
	v7 =	vxor.u32 $0x80000000, v8;
	v8 =	vsel vm10, $0x0, v0;
	(xrf0) =	vmax.scan.msk.u32 $0xffff, v1  }
0x61: {  	s20 =	sadd.s32 $0x500, s13;
	v11 =	vsel vm12, $0x0, v0;
	v1 =	vxor.u32 $0x80000000, v8;
	v8 =	vsel vm11, $0x0, v0;
	v10, _, _ =	vpop (xrf0);
	(xrf0) =	vmax.scan.msk.u32 $0xffff, v2  }
0x62: {  	s25 =	sadd.s32 $0x380, s13;
	v2 =	vxor.u32 $0x80000000, v8;
	v8 =	vxor.u32 $0x80000000, v11;
	v9, _, _ =	vpop (xrf0);
	(v2sf) =	vpush v10, $0xF;
	(xrf0) =	vmax.scan.msk.u32 $0xffff, v6  }
0x63: {  	v5 =	vxor.u32 $0x80000000, v5;
	v0 =	vsel vm15, $0x0, v0;
	(v2sf) =	vpush v9, $0xF;
	v6, _, _ =	vpop (xrf0);
	(xrf0) =	vmax.scan.msk.u32 $0xffff, v4  }
0x64: {  	v0 =	vxor.u32 $0x80000000, v0;
	v4, _, _ =	vpop (xrf0);
	(v2sf) =	vpush v6, $0xF;
	(xrf0) =	vmax.scan.msk.u32 $0xffff, v7  }
0x65: {  	(v2sf) =	vpush v4, $0xF;
	v4, _, _ =	vpop (xrf0);
	(xrf0) =	vmax.scan.msk.u32 $0xffff, v1  }
0x66: {  	v1, _, _ =	vpop (xrf0);
	(v2sf) =	vpush v4, $0xF;
	(xrf0) =	vmax.scan.msk.u32 $0xffff, v2  }
0x67: {  	(v2sf) =	vpush v1, $0xF;
	v1, _, _ =	vpop (xrf0);
	(xrf0) =	vmax.scan.msk.u32 $0xffff, v8  }
0x68: {  	v2, _, _ =	vpop (xrf0);
	(xrf0) =	vmax.scan.msk.u32 $0xffff, v5  }
0x69: {  	(v2sf) =	vpush v1, $0xF;
	v5, _, _ =	vpop (xrf0);
	(xrf0) =	vmax.scan.msk.u32 $0xffff, v3  }
0x6a: {  	v6, _, _ =	vpop (xrf0);
	(xrf0) =	vmax.scan.msk.u32 $0xffff, v0  }
0x6b: {  	v7, _, _ =	vpop (xrf0)  }
0x6c: {  	(v2sf) =	vpush v2, $0xF;
	v4, _, _ =	vpop (xrf0)  }
0x6d: {  	v3, _, _ =	vpop (xrf0)  }
0x6e: {  	v2, _, _ =	vpop (xrf0)  }
0x6f: {  	s18 =	sadd.s32 $0x880, s13;
	s15 =	sadd.s32 $0x10, s15;
	v1, _, _ =	vpop (xrf0)  }
0x70: {  	s24 =	sadd.s32 $0x700, s13;
	s22 =	sadd.s32 $0x780, s13;
	s21 =	sadd.s32 $0x800, s13;
	(v2sf) =	vpush v5, $0xF;
	v0, _, _ =	vpop (xrf0)  }
0x71: {  	s28 =	sadd.s32 $0x600, s13;
	s26 =	sadd.s32 $0x680, s13;
	s0 =	spop (v2sf)  }
0x72: {  	s1 =	spop (v2sf)  }
0x73: {  	s29 =	sadd.s32 $0x580, s13;
	s0 =	sshll.u32 s0, $0x4;
	(v2sf) =	vpush v6, $0xF;
	s1 =	sshll.u32 s1, $0x4  }
.Ltmp0:
0x74: {  	s31 =	sand.u32 $0x1FFFFFF0, s0;
	s0 =	spop (v2sf);
	(pc) =	sbr.rel @p0 .LBB2_2-.Ltmp0, $4  }
0x75: {  	s1 =	sand.u32 $0x1FFFFFF0, s1;
	s0 =	sshll.u32 s0, $0x4;
	s7 =	spop (v2sf)  }
0x76: {  	s11 =	sadd.s32 s3, s1;
	s1 =	sshll.u32 s7, $0x4;
	s8 =	spop (v2sf)  }
0x77: {  	s7 =	sand.u32 $0x1FFFFFF0, s1;
	s1 =	sshll.u32 s8, $0x4;
	s8 =	spop (v2sf);
	(v2sf) =	vpush v7, $0xF  }
0x78: {  	[tilespmem:s30], [sflag:$0x1] =	stream.linear.gather [hbm4b:s11+s2], $0x80, $0x38;
	[tilespmem:$0x10200] =	vst v63  }
0x79: {  	s7 =	sadd.s32 s3, s7;
	s8 =	sshll.u32 s8, $0x4;
	s11 =	spop (v2sf);
	(v2sf) =	vpush v4, $0xF  }
0x7a: {  	[tilespmem:s23], [sflag:$0x1] =	stream.linear.gather [hbm4b:s7+s2], $0x80, $0x38;
	[tilespmem:$0x10200] =	vst v63  }
0x7b: {  	s1 =	sand.u32 $0x1FFFFFF0, s1;
	s0 =	sand.u32 $0x1FFFFFF0, s0;
	s8 =	sand.u32 $0x1FFFFFF0, s8  }
0x7c: {  	s14 =	sshll.u32 s11, $0x4;
	s7 =	sadd.s32 s3, s8;
	s15 =	spop (v2sf)  }
0x7d: {  	(v2sf) =	vpush v3, $0xF;
	[tilespmem:s19], [sflag:$0x1] =	stream.linear.gather [hbm4b:s7+s2], $0x80, $0x38;
	[tilespmem:$0x10200] =	vst v63  }
0x7e: {  	s23 =	sadd.s32 s3, s31;
	s8 =	sand.u32 $0x1FFFFFF0, s14;
	s11 =	sshll.u32 s15, $0x4  }
0x7f: {  	(v2sf) =	vpush v2, $0xF;
	[tilespmem:s25], [sflag:$0x1] =	stream.linear.gather [hbm4b:s23+s2], $0x80, $0x38;
	[tilespmem:$0x10200] =	vst v63  }
0x80: {  	s30 =	sand.u32 $0x1FFFFFF0, s11;
	s25 =	sadd.s32 s3, s8;
	s31 =	spop (v2sf)  }
0x81: {  	[tilespmem:s16], [sflag:$0x1] =	stream.linear.gather [hbm4b:s25+s2], $0x80, $0x38;
	[tilespmem:$0x10200] =	vst v63  }
0x82: {  	s1 =	sadd.s32 s3, s1;
	s14 =	sadd.s32 s3, s30;
	(v2sf) =	vpush v1, $0xF;
	s16 =	spop (v2sf)  }
0x83: {  	[tilespmem:s17], [sflag:$0x1] =	stream.linear.gather [hbm4b:s14+s2], $0x80, $0x38;
	[tilespmem:$0x10200] =	vst v63  }
0x84: {  	s0 =	sadd.s32 s3, s0;
	s15 =	sshll.u32 s31, $0x4;
	(v2sf) =	vpush v0, $0xF;
	s19 =	sshll.u32 s16, $0x4  }
0x85: {  	[tilespmem:s20], [sflag:$0x1] =	stream.linear.gather [hbm4b:s1+s2], $0x80, $0x38;
	[tilespmem:$0x10200] =	vst v63  }
0x86: {  	s17 =	sand.u32 $0x1FFFFFF0, s15;
	s23 =	sand.u32 $0x1FFFFFF0, s19;
	s25 =	spop (v2sf)  }
0x87: {  	[tilespmem:s29], [sflag:$0x1] =	stream.linear.gather [hbm4b:s0+s2], $0x80, $0x38;
	[tilespmem:$0x10200] =	vst v63  }
0x88: {  	s29 =	sadd.s32 s3, s17;
	s30 =	sshll.u32 s25, $0x4;
	s31 =	spop (v2sf)  }
0x89: {  	[tilespmem:s28], [sflag:$0x1] =	stream.linear.gather [hbm4b:s29+s2], $0x80, $0x38;
	[tilespmem:$0x10200] =	vst v63  }
0x8a: {  	s1 =	sadd.s32 s3, s23;
	s7 =	sand.u32 $0x1FFFFFF0, s30;
	s11 =	sshll.u32 s31, $0x4  }
0x8b: {  	[tilespmem:s26], [sflag:$0x1] =	stream.linear.gather [hbm4b:s1+s2], $0x80, $0x38;
	[tilespmem:$0x10200] =	vst v63  }
0x8c: {  	s14 =	sadd.s32 s3, s7;
	s15 =	sand.u32 $0x1FFFFFF0, s11;
	s16 =	spop (v2sf)  }
0x8d: {  	[tilespmem:s24], [sflag:$0x1] =	stream.linear.gather [hbm4b:s14+s2], $0x80, $0x38;
	[tilespmem:$0x10200] =	vst v63  }
0x8e: {  	s17 =	sadd.s32 s3, s15;
	s19 =	sshll.u32 s16, $0x4;
	s20 =	spop (v2sf)  }
0x8f: {  	[tilespmem:s22], [sflag:$0x1] =	stream.linear.gather [hbm4b:s17+s2], $0x80, $0x38;
	[tilespmem:$0x10200] =	vst v63  }
0x90: {  	s23 =	sshll.u32 s20, $0x4;
	s22 =	sand.u32 $0x1FFFFFF0, s19  }
0x91: {  	s1 =	sand.u32 $0x1FFFFFF0, s23;
	s24 =	spop (v2sf);
	s0 =	sadd.s32 s3, s22  }
0x92: {  	[tilespmem:s21], [sflag:$0x1] =	stream.linear.gather [hbm4b:s0+s2], $0x80, $0x38;
	[tilespmem:$0x10200] =	vst v63  }
0x93: {  	s25 =	sadd.s32 s3, s1;
	s7 =	sshll.u32 s24, $0x4;
	s28 =	spop (v2sf)  }
0x94: {  	[tilespmem:s18], [sflag:$0x1] =	stream.linear.gather [hbm4b:s25+s2], $0x80, $0x38;
	[tilespmem:$0x10200] =	vst v63  }
0x95: {  	s26 =	sand.u32 $0x1FFFFFF0, s7;
	s7 =	sshll.u32 s28, $0x4  }
0x96: {  	s29 =	sadd.s32 $0x900, s13;
	s1 =	sadd.s32 s3, s26;
	s30 =	sand.u32 $0x1FFFFFF0, s7  }
0x97: {  	[tilespmem:s29], [sflag:$0x1] =	stream.linear.gather [hbm4b:s1+s2], $0x80, $0x38;
	[tilespmem:$0x10200] =	vst v63  }
0x98: {  	s31 =	sadd.s32 $0x980, s13;
	s0 =	sadd.s32 s3, s30  }
0x99: {  	[tilespmem:s31], [sflag:$0x1] =	stream.linear.gather [hbm4b:s0+s2], $0x80, $0x38;
	[tilespmem:$0x10200] =	vst v63  }
0x9a: {  	_ =	swait.ge [sflag:s10], $0x80  }
0x9b: {  	s0 =	simm.s32 $0x1FF;
	[sflag:s10] =	ssyncset.done $0x0  }
.LBB2_4:
0x9c: {  	p0 =	sne.s32 s0, $0x1;
	s0 =	sadd.s32 $0xFFFFFFFF, s0;
	[sflag:s10] =	ssyncadd.s32 $0xFFFFFF80  }
.Ltmp1:
0x9d: {  	(pc) =	sbr.rel @p0 .LBB2_4-.Ltmp1, $3  }
0x9e: {  	_ =	sdelay $0x1  }
0x9f: {  	_ =	swait.ge [sflag:s10], $0x80  }
0xa0: {  	[sflag:s10] =	ssyncset.done $0x0  }
0xa1: {  	s12 =	sadd.s32 $0x1, s12  }
0xa2: {  	p0 =	sne.s32 s12, s6  }
.Ltmp2:
0xa3: {  	[sflag:s10] =	ssyncadd.s32 $0xFFFFFF80;
	s0 =	simm.s32 $0x200;
	(pc) =	sbr.rel @p0 .LBB2_1-.Ltmp2, $4  }
0xa4: {  	[hbm4b:s5+s2] =	stream.linear.scatter [tilespmem:s0], [sflag:$0x2], $0x10000, $0x38;
	[tilespmem:$0x10200] =	vst v63  }
0xa5: {  	_ =	swait.ge [sflag:s9], $0x10000  }
0xa6: {  	[sflag:s9] =	ssyncset.done $0x0  }
0xa7: {  	[sflag:s9] =	ssyncadd.s32 $0xFFFF0000  }
0xa8: {  	_ =	sfence.sel $0x180000  }
0xa9: {  	[bflag:$0x0] =	sbarrier.arrive $0xFFFF  }
0xaa: {  	_ =	strace $0x90000047  }
0xab: {  	s0 =	stileid.u32;
	[bflag:$0x2] =	sbarrier.arrive $0xFFFF  }
0xac: {  	p0 =	sne.s32 s0, $0x0;
	s0 =	rddreg [dreg:$0x2]  }
0xad: {  	s0 =	sadd.s32 @!p0 $0x100000, s0  }
0xae: {  	[sflag:s0] =	ssyncadd.tile.s32 @!p0 $0x1;
	_ =	shalt  }
.Lfunc_end2:
_tile_overlayer_lowered:
.L_overlay_start_2:
0xaf: {  	(tag) =	ssettag $0x2  }
0xb0: {  	s0 =	rddreg [dreg:$0x0];
	s2 =	stileid.u32  }
0xb1: {  	s1 =	rddreg [dreg:$0x1];
	p0 =	sne.s32 s2, $0x0  }
0xb2: {  	s3 =	rddreg [dreg:$0x2];
	[bflag:$0x3] =	sbarrier.arrive $0xFFFF;
	s2 =	simm.s32 @!p0 $0x1C02  }
0xb3: {  	[timem:s3], [sflag:s2] =	dma.local @!p0 [hbm:s0], s1  }
0xb4: {  	s0 =	simm.s32 @!p0 $0x2  }
0xb5: {  	_ =	swait.ge @!p0 [sflag:s0], s1  }
0xb6: {  	s1 =	ssub.s32 @!p0 $0x0, s1;
	[sflag:s0] =	ssyncset.done @!p0 $0x0  }
0xb7: {  	[sflag:s0] =	ssyncadd.s32 @!p0 s1  }
0xb8: {  	[bflag:$0x3] =	sbarrier.arrive $0xFFFF  }
0xb9: {  	_ =	shalt  }

// kernel: kernel.8.cloned.1.call-start
scs
__scs_entry_jumppad:
0x0: {  	(pc) =	sbr.rel $0x88, $3  }
0x1: {  	(tag) =	ssettag $0x0;
	lr =	simm.s32 $0x1  }
0x2: {  	[smem:$0x3F9B] =	sst lr;
	_ =	strace $0xD0000000  }
0x3: {  	_ = 	snop  }
0x4: {  	_ = 	snop  }
0x5: {  	_ = 	snop  }
0x6: {  	_ = 	snop  }
0x7: {  	_ = 	snop  }
__scs_overlays_trampoline_lowered:
0x8: {  	[smem:$0x3FAA] =	sst s0  }
0x9: {  	[smem:$0x3FAB] =	sst s1  }
0xa: {  	[smem:$0x3FAC] =	sst s2  }
0xb: {  	[smem:$0x3FAD] =	sst s3  }
0xc: {  	[smem:$0x3FAE] =	sst s4  }
0xd: {  	[smem:$0x3FAF] =	sst s5  }
0xe: {  	[smem:$0x3FB0] =	sst s6  }
0xf: {  	[smem:$0x3FB1] =	sst s7  }
0x10: {  	[smem:$0x3FB2] =	sst s8  }
0x11: {  	[smem:$0x3FB3] =	sst s9;
	s0 =	simm.s32 @!p0 $0x0  }
0x12: {  	s1 =	sld [smem:$0x3F99];
	s0 =	simm.s32 @p0 $0x1  }
0x13: {  	[smem:$0x3FB4] =	sst s0;
	s0 =	simm.s32 @!p1 $0x0  }
0x14: {  	s2 =	sld [smem:$0x3F98];
	s0 =	simm.s32 @p1 $0x1  }
0x15: {  	[smem:$0x3FB5] =	sst s0;
	s0 =	simm.s32 @!p2 $0x0  }
0x16: {  	s3 =	sld [smem:$0x3FDB];
	s0 =	simm.s32 @p2 $0x1  }
0x17: {  	s4 =	simm.s32 $0x1BF5;
	[smem:$0x3FB7] =	sst s0  }
0x18: {  	s0 =	sld [smem:$0x3F9A];
	_ =	swait.ge [sflag:s4], $0x0  }
0x19: {  	s7 =	sld [smem:$0x3F9B]  }
0x1a: {  	s8 =	sadd.s32 $0xFFFFE003, lr  }
0x1b: {  	s9 =	sadd.s32 $0xFFFFFEF7, lr;
	s5 =	simm.s32 $0xFFFFFFFF;
	p2 =	slt.u32 s8, $0xFFFFF086  }
0x1c: {  	p1 =	slt.u32 s9, $0xF7A;
	s5 =	simm.s32 @!p2 $0x0  }
0x1d: {  	s5 =	simm.s32 @p1 $0x1;
	p0 =	seq.s32 s7, s2  }
0x1e: {  	s7 =	smul.u32 @!p0 $0xF7A, s2;
	p2 =	seq.s32 @!p0 s5, $0x0  }
0x1f: {  	s9 =	smul.u32 $0xF7A, s1;
	s8 =	simm.s32 @!p0 $0x1BF5;
	p2 =	por !p2, p0  }
0x20: {  	[sflag:s8] =	ssyncset.s32 @!p0 $0xFFFFF086;
	s6 =	sadd.s32 @!p0 s3, s7;
	s7 =	simm.s32 @!p0 $0x108  }
0x21: {  	s3 =	sadd.s32 s3, s9;
	s6 =	sadd.s32 @!p0 $0x88, s6;
	s7 =	simm.s32 @p2 $0x1082  }
0x22: {  	[simem:s7], [sflag:s8] =	dma.local @!p0 [hbm:s6], $0xF7A  }
0x23: {  	s9 =	sor.u32 $0xD0000000, s2;
	s6 =	simm.s32 $0x108;
	_ =	swait.ge @!p0 [sflag:s8], $0x0  }
0x24: {  	s3 =	sadd.s32 $0x88, s3;
	s6 =	simm.s32 @!p1 $0x1082;
	[sflag:s4] =	ssyncset.s32 $0xFFFFF086  }
0x25: {  	[simem:s6], [sflag:s4] =	dma.local [hbm:s3], $0xF7A  }
0x26: {  	[smem:$0x3F9B] =	sst s1;
	(tag) =	ssettag s2;
	_ =	strace s9  }
0x27: {  	s1 =	sld [smem:$0x3FAB]  }
0x28: {  	s2 =	sld [smem:$0x3FAC]  }
0x29: {  	s4 =	sld [smem:$0x3FAE]  }
0x2a: {  	p0 =	seq.s32 s5, $0x0;
	s5 =	sld [smem:$0x3FAF]  }
0x2b: {  	s6 =	sld [smem:$0x3FB0]  }
0x2c: {  	s7 =	sld [smem:$0x3FB1]  }
0x2d: {  	s3 =	simm.s32 $0x108;
	s8 =	sld [smem:$0x3FB2]  }
0x2e: {  	s3 =	simm.s32 @!p0 $0x1082;
	s9 =	sld [smem:$0x3FB3]  }
0x2f: {  	lr =	sadd.s32 s0, s3;
	s0 =	sld [smem:$0x3FAA]  }
0x30: {  	s3 =	sld [smem:$0x3FAD]  }
0x31: {  	[smem:$0x3FB6] =	sst s10  }
0x32: {  	s10 =	sld [smem:$0x3FB4];
	_ =	sdelay $0x3  }
0x33: {  	p0 =	seq.s32 s10, $0x1;
	s10 =	sld [smem:$0x3FB6];
	_ =	sdelay $0x3  }
0x34: {  	[smem:$0x3FB6] =	sst s10  }
0x35: {  	s10 =	sld [smem:$0x3FB5];
	_ =	sdelay $0x3  }
0x36: {  	p1 =	seq.s32 s10, $0x1;
	s10 =	sld [smem:$0x3FB6];
	_ =	sdelay $0x3  }
0x37: {  	[smem:$0x3FB6] =	sst s10  }
0x38: {  	s10 =	sld [smem:$0x3FB7]  }
0x39: {  	_ = 	snop;
	(pc) =	sbr.ind lr, $3  }
0x3a: {  	_ = 	snop  }
0x3b: {  	_ = 	snop  }
0x3c: {  	p2 =	seq.s32 s10, $0x1;
	s10 =	sld [smem:$0x3FB6]  }
0x3d: {  	_ =	shalt  }
0x3e: {  	_ =	shalt  }
0x3f: {  	_ =	shalt  }
0x40: {  	_ =	shalt  }
0x41: {  	_ =	shalt  }
0x42: {  	_ =	shalt  }
0x43: {  	_ =	shalt  }
0x44: {  	_ =	shalt  }
0x45: {  	_ =	shalt  }
0x46: {  	_ =	shalt  }
0x47: {  	_ =	shalt  }
0x48: {  	_ =	shalt  }
0x49: {  	_ =	shalt  }
0x4a: {  	_ =	shalt  }
0x4b: {  	_ =	shalt  }
0x4c: {  	_ =	shalt  }
0x4d: {  	_ =	shalt  }
0x4e: {  	_ =	shalt  }
0x4f: {  	_ =	shalt  }
0x50: {  	_ =	shalt  }
0x51: {  	_ =	shalt  }
0x52: {  	_ =	shalt  }
0x53: {  	_ =	shalt  }
0x54: {  	_ =	shalt  }
0x55: {  	_ =	shalt  }
0x56: {  	_ =	shalt  }
0x57: {  	_ =	shalt  }
0x58: {  	_ =	shalt  }
0x59: {  	_ =	shalt  }
0x5a: {  	_ =	shalt  }
0x5b: {  	_ =	shalt  }
0x5c: {  	_ =	shalt  }
0x5d: {  	_ =	shalt  }
0x5e: {  	_ =	shalt  }
0x5f: {  	_ =	shalt  }
0x60: {  	_ =	shalt  }
0x61: {  	_ =	shalt  }
0x62: {  	_ =	shalt  }
0x63: {  	_ =	shalt  }
0x64: {  	_ =	shalt  }
0x65: {  	_ =	shalt  }
0x66: {  	_ =	shalt  }
0x67: {  	_ =	shalt  }
0x68: {  	_ =	shalt  }
0x69: {  	_ =	shalt  }
0x6a: {  	_ =	shalt  }
0x6b: {  	_ =	shalt  }
0x6c: {  	_ =	shalt  }
0x6d: {  	_ =	shalt  }
0x6e: {  	_ =	shalt  }
0x6f: {  	_ =	shalt  }
0x70: {  	_ =	shalt  }
0x71: {  	_ =	shalt  }
0x72: {  	_ =	shalt  }
0x73: {  	_ =	shalt  }
0x74: {  	_ =	shalt  }
0x75: {  	_ =	shalt  }
0x76: {  	_ =	shalt  }
0x77: {  	_ =	shalt  }
0x78: {  	_ =	shalt  }
0x79: {  	_ =	shalt  }
0x7a: {  	_ =	shalt  }
0x7b: {  	_ =	shalt  }
0x7c: {  	_ =	shalt  }
0x7d: {  	_ =	shalt  }
0x7e: {  	_ =	shalt  }
0x7f: {  	_ =	shalt  }
0x80: {  	_ =	shalt  }
0x81: {  	_ =	shalt  }
0x82: {  	_ =	shalt  }
0x83: {  	_ =	shalt  }
0x84: {  	_ =	shalt  }
0x85: {  	_ =	shalt  }
0x86: {  	_ =	shalt  }
0x87: {  	_ =	shalt  }
.Lfunc_end0:
.L_simem_size_0:
called_computation.1_lowered:
.L_overlay_start_0:
0x88: {  	s2 =	sld [smem:$0x3FD9]  }
0x89: {  	s3 =	sld [smem:$0x3FFE];
	_ =	sdelay $0x1  }
0x8a: {  	s1 =	srdreg.scid  }
0x8b: {  	s0 =	sand.u32 $0x1, s1  }
0x8c: {  	s17 =	sshll.u32 s0, $0xA;
	s2 =	sadd.s32 s3, s2  }
0x8d: {  	s2 =	sadd.s32 s2, s17  }
0x8e: {  	[smem:$0x3FC2] =	sst s2  }
0x8f: {  	_ = 	snop  }
0x90: {  	s2 =	sld [smem:$0x3FD0];
	(tm) =	ssettm $0x1  }
0x91: {  	s18 =	sld [smem:$0x3FFB];
	_ =	sdelay $0x3  }
0x92: {  	_ =	strace s18  }
0x93: {  	s3 =	sld [smem:$0x3FFC];
	_ =	sdelay $0x3  }
0x94: {  	_ =	strace s3  }
0x95: {  	s3 =	sld [smem:$0x3FFD];
	_ =	sdelay $0x3  }
0x96: {  	_ =	strace s3  }
0x97: {  	_ =	strace $0x8FFFFFFF  }
0x98: {  	s19 =	sld [smem:$0x3FDB];
	_ =	sdelay $0x1  }
0x99: {  	s4 =	simm.s32 $_scs_section_size  }
0x9a: {  	s5 =	simm.s32 $_size__tile_overlayer_lowered;
	s6 =	simm.s32 $_tile_overlayer_lowered  }
0x9b: {  	s22 =	simm.s32 $0x1BFF;
	s21 =	sshll.u32 s6, $0x1;
	s3 =	sadd.s32 s4, s19  }
0x9c: {  	s7 =	simm.s32 $0x0;
	s20 =	sshll.u32 s5, $0x1;
	s5 =	sadd.s32 s21, s3  }
0x9d: {  	[timem:s7], [sflag:s22] =	dma.local [hbm:s5], s20  }
0x9e: {  	_ =	swait.ge [sflag:s22], s20  }
0x9f: {  	s4 =	ssub.s32 $0x0, s20;
	[sflag:s22] =	ssyncset.done $0x0  }
0xa0: {  	[sflag:s22] =	ssyncadd.s32 s4;
	_ =	sdelay $0x1  }
0xa1: {  	s23 =	simm.s32 $0x1B8B  }
0xa2: {  	_ =	swait.ge [sflag:s23], $0x1  }
0xa3: {  	[sflag:s23] =	ssyncset.done $0x0  }
0xa4: {  	s25 =	simm.s32 $0x1B8E;
	s24 =	sld [smem:$0x3FFE];
	[sflag:s23] =	ssyncadd.s32 $0xFFFFFFFF  }
0xa5: {  	s26 =	simm.s32 $execute0_lowered;
	[smem:$0x3FD2] =	sst s25  }
0xa6: {  	s5 =	sshll.u32 s26, $0x1;
	_ =	strace $0x80000049;
	[dreg:$0x1] =	wrdreg $0xFFFFFFFF  }
0xa7: {  	s28 =	simm.s32 $_size_execute0_lowered;
	s3 =	sadd.s32 s3, s5;
	[dreg:$0x0] =	wrdreg $0x0  }
0xa8: {  	s5 =	sshll.u32 s28, $0x1;
	[dreg:$0x2] =	wrdreg s3  }
0xa9: {  	[dreg:$0x3] =	wrdreg s5  }
0xaa: {  	[dreg:$0x4] =	wrdreg $0xC0  }
0xab: {  	_ =	task [dreg:s7], $0x5FFFF  }
0xac: {  	[dreg:$0x1] =	wrdreg $0xFFFFFFFF  }
0xad: {  	[dreg:$0x0] =	wrdreg $0x60  }
0xae: {  	[dreg:$0x2] =	wrdreg s24  }
0xaf: {  	[dreg:$0x3] =	wrdreg s2  }
0xb0: {  	[dreg:$0x4] =	wrdreg $0x9  }
0xb1: {  	_ =	task.clear_ibuf [dreg:s7], $0x5FFFF;
	_ =	strace $0x90000049  }
0xb2: {  	s29 =	simm.s32 $0x9;
	_ =	strace $0x8000004B  }
0xb3: {  	_ =	swait.ge [sflag:s29], $0x1  }
0xb4: {  	[sflag:s29] =	ssyncadd.s32 $0xFFFFFFFF  }
0xb5: {  	_ =	strace $0x9000004B  }
0xb6: {  	_ =	sfence  }
0xb7: {  	s30 =	sld [smem:$0x0];
	_ =	sdelay $0x2  }
0xb8: {  	s31 =	sshll.u32 s1, $0xD;
	s1 =	sshrl.u32 s1, $0x2  }
0xb9: {  	s3 =	sand.u32 $0x4000, s31;
	s1 =	sadd.s32 s1, s30  }
0xba: {  	s0 =	sor.u32 s3, s0;
	s1 =	sshll.u32 s1, $0x11  }
0xbb: {  	s0 =	sor.u32 s1, s0  }
0xbc: {  	s0 =	sadd.s32 $0x8F2B, s0  }
0xbd: {  	[sflag:s0] =	ssyncadd.remote.s32 $0x1  }
0xbe: {  	_ =	sfence.sel $0xFFFF  }
0xbf: {  	[dreg:$0x0] =	wrdreg $0xFFFFFFFF;
	(pc) =	sbr.abs _section_cstart, $3  }
0xc0: {  	[dreg:$0x1] =	wrdreg $0xFFFFFFFF  }
0xc1: {  	_ =	task.clear_ibuf [dreg:s7], $0x2FFFF;
	_ =	strace $0x9FFFFFFF  }
0xc2: {  	(tm) =	ssettm $0x7FFFFFFF  }
0xc3: {  	_ =	shalt  }
tec
execute0_lowered:
.L_overlay_start_1:
0x0: {  	(tag) =	ssettag $0x1  }
0x1: {  	s0 =	rddreg [dreg:$0x0]  }
0x2: {  	s1 =	rddreg [dreg:$0x1]  }
0x3: {  	s2 =	simm.s32 $0x0;
	s5 =	stileid.u32;
	s3 =	srdreg.scid  }
0x4: {  	s9 =	simm.s32 $0x2;
	s11 =	simm.s32 $0x1;
	[smem:$0x7FF] =	sst s2  }
0x5: {  	s4 =	sshll.u32 s5, $0x7;
	s3 =	sand.u32 $0x1, s3;
	s5 =	sshll.u32 s5, $0x1  }
0x6: {  	vm0 =	vmmov $0x1;
	_ =	strace $0x8000004A;
	s4 =	sand.u32 $0x600, s4;
	s5 =	sor.u32 s3, s5  }
0x7: {  	vm1 =	vcmask $0x308;
	vm2 =	vcmask $0x70C;
	vm3 =	vcmask $0xB10;
	s6 =	ssub.s32 $0x2, s3;
	s3 =	sadd.s32 $0x1C00, s0;
	s7 =	sshll.u32 s5, $0x4  }
0x8: {  	vm4 =	vcmask $0xF14;
	vm5 =	vcmask $0x1318;
	vm6 =	vcmask $0x171C;
	s4 =	sadd.s32 s4, s0;
	s5 =	sshll.u32 s5, $0xD;
	s7 =	sand.u32 $0x70, s7  }
0x9: {  	vm7 =	vcmask $0x1B20;
	vm8 =	vcmask $0x1F24;
	vm9 =	vcmask $0x2328;
	s31 =	sshrl.u32 s6, $0x1;
	s1 =	sadd.s32 s1, s5;
	s4 =	sadd.s32 s7, s4  }
0xa: {  	vm10 =	vcmask $0x272C;
	vm11 =	vcmask $0x2B30;
	vm12 =	vcmask $0x2F34;
	s0 =	ssub.s32 s6, s31;
	[dreg:$0x4] =	wrdreg s1;
	s4 =	sadd.s32 $0x1400, s4  }
0xb: {  	vm13 =	vcmask $0x3338;
	vm14 =	vcmask $0x373C;
	vm15 =	vmmov $0x7fff;
	s12 =	simm.s32 $0x0;
	s6 =	smax.u32 s0, $0x1;
	[dreg:$0x3] =	wrdreg s4  }
.LBB2_1:
0xc: {  	s0 =	rddreg [dreg:$0x3];
	s1 =	simm.s32 $0x80;
	s4 =	simm.s32 $0x400  }
0xd: {  	[tilespmem:s2], [sflag:$0x2] =	stream.strided.gather [hbm4b:s0+s1], $0x200, s4, s1, $0x38;
	[tilespmem:$0x10200] =	vst v63  }
0xe: {  	_ =	swait.ge [sflag:s9], $0x200  }
0xf: {  	[sflag:s9] =	ssyncset.done $0x0  }
0x10: {  	s26 =	simm.s32 $0x200;
	s25 =	rddreg [dreg:$0x4];
	[sflag:s9] =	ssyncadd.s32 $0xFFFFFE00  }
0x11: {  	[tilespmem:s26], [sflag:$0x2] =	stream.linear.gather [hbm4b:s25+s2], $0x10000, $0x38;
	[tilespmem:$0x10200] =	vst v63  }
0x12: {  	_ =	swait.ge [sflag:s9], $0x10000  }
0x13: {  	[sflag:s9] =	ssyncset.done $0x0  }
0x14: {  	[sflag:s9] =	ssyncadd.s32 $0xFFFF0000  }
0x15: {  	v0 =	vld [tilespmem:s2+$0x0];
	_ =	sdelay $0x4  }
0x16: {  	v1 =	vsel vm9, $0x0, v0  }
0x17: {  	v1 =	vxor.u32 $0x80000000, v1  }
0x18: {  	v2 =	vsel vm1, $0x0, v0;
	(xrf0) =	vmax.scan.msk.u32 $0xffff, v1  }
0x19: {  	v2 =	vxor.u32 $0x80000000, v2  }
0x1a: {  	v1 =	vsel vm2, $0x0, v0;
	(xrf0) =	vmax.scan.msk.u32 $0xffff, v2  }
0x1b: {  	v2 =	vnsel vm0, $0x0, v0;
	v1 =	vxor.u32 $0x80000000, v1  }
0x1c: {  	v2 =	vxor.u32 $0x80000000, v2;
	(xrf0) =	vmax.scan.msk.u32 $0xffff, v1  }
0x1d: {  	(xrf0) =	vmax.scan.msk.u32 $0xffff, v2  }
0x1e: {  	v2 =	vsel vm3, $0x0, v0;
	v1, _, _ =	vpop (xrf0)  }
0x1f: {  	(v2sf) =	vpush v1, $0xF;
	v1 =	vxor.u32 $0x80000000, v2;
	v2 =	vsel vm10, $0x0, v0  }
0x20: {  	v3, _, _ =	vpop (xrf0);
	v2 =	vxor.u32 $0x80000000, v2  }
0x21: {  	v4 =	vsel vm12, $0x0, v0;
	(v2sf) =	vpush v3, $0xF;
	v3 =	vsel vm8, $0x0, v0;
	(xrf0) =	vmax.scan.msk.u32 $0xffff, v1  }
0x22: {  	v4 =	vxor.u32 $0x80000000, v4;
	v3 =	vxor.u32 $0x80000000, v3;
	(xrf0) =	vmax.scan.msk.u32 $0xffff, v2;
	v1, _, _ =	vpop (xrf0)  }
0x23: {  	(xrf0) =	vmax.scan.msk.u32 $0xffff, v3;
	v3 =	vsel vm5, $0x0, v0;
	v2, _, _ =	vpop (xrf0);
	(v2sf) =	vpush v1, $0xF;
	v1 =	vsel vm6, $0x0, v0  }
0x24: {  	(xrf0) =	vmax.scan.msk.u32 $0xffff, v4;
	(v2sf) =	vpush v2, $0xF;
	v2 =	vsel vm4, $0x0, v0;
	v1 =	vxor.u32 $0x80000000, v1  }
0x25: {  	v2 =	vxor.u32 $0x80000000, v2;
	(xrf0) =	vmax.scan.msk.u32 $0xffff, v1;
	v1 =	vxor.u32 $0x80000000, v3;
	v3 =	vsel vm7, $0x0, v0  }
0x26: {  	(xrf0) =	vmax.scan.msk.u32 $0xffff, v2;
	v2 =	vxor.u32 $0x80000000, v3  }
0x27: {  	v3 =	vsel vm11, $0x0, v0  }
0x28: {  	v4, _, _ =	vpop (xrf0);
	(xrf0) =	vmax.scan.msk.u32 $0xffff, v1;
	v1 =	vxor.u32 $0x80000000, v3;
	v3 =	vsel vm13, $0x0, v0  }
0x29: {  	(v2sf) =	vpush v4, $0xF;
	(xrf0) =	vmax.scan.msk.u32 $0xffff, v2;
	v3 =	vxor.u32 $0x80000000, v3;
	v2, _, _ =	vpop (xrf0)  }
0x2a: {  	v6, _, _ =	vpop (xrf0);
	(v2sf) =	vpush v2, $0xF  }
0x2b: {  	(xrf0) =	vmax.scan.msk.u32 $0xffff, v1;
	v1, _, _ =	vpop (xrf0);
	(v2sf) =	vpush v6, $0xF  }
0x2c: {  	v5 =	vsel vm14, $0x0, v0;
	(xrf0) =	vmax.scan.msk.u32 $0xffff, v3;
	v3, _, _ =	vpop (xrf0)  }
0x2d: {  	v5 =	vxor.u32 $0x80000000, v5;
	(v2sf) =	vpush v3, $0xF  }
0x2e: {  	v0 =	vsel vm15, $0x0, v0  }
0x2f: {  	v0 =	vxor.u32 $0x80000000, v0  }
0x30: {  	s14 =	simm.s32 $0x2000;
	(xrf0) =	vmax.scan.msk.u32 $0xffff, v5;
	v5, _, _ =	vpop (xrf0);
	s29 =	spop (v2sf)  }
0x31: {  	s13 =	simm.s32 $0x0;
	s19 =	simm.s32 $0x300;
	(xrf0) =	vmax.scan.msk.u32 $0xffff, v0;
	s30 =	spop (v2sf);
	(v2sf) =	vpush v5, $0xF  }
0x32: {  	s15 =	simm.s32 $0x580;
	s23 =	simm.s32 $0x200;
	s22 =	simm.s32 $0x280;
	v0, _, _ =	vpop (xrf0)  }
0x33: {  	s18 =	simm.s32 $0x400;
	s17 =	simm.s32 $0x480;
	s20 =	simm.s32 $0x500;
	v6, _, _ =	vpop (xrf0);
	(v2sf) =	vpush v0, $0xF  }
0x34: {  	s16 =	simm.s32 $0x10;
	s21 =	simm.s32 $0x880;
	s24 =	simm.s32 $0x800;
	v4, _, _ =	vpop (xrf0)  }
0x35: {  	s25 =	simm.s32 $0x380;
	s0 =	sshll.u32 s29, $0x4;
	v3, _, _ =	vpop (xrf0);
	s31 =	spop (v2sf);
	(v2sf) =	vpush v6, $0xF  }
0x36: {  	s26 =	simm.s32 $0x780;
	s1 =	sshll.u32 s30, $0x4;
	s28 =	sand.u32 $0x1FFFFFF0, s0;
	v2, _, _ =	vpop (xrf0)  }
0x37: {  	s0 =	sand.u32 $0x1FFFFFF0, s1;
	v0, _, _ =	vpop (xrf0);
	s1 =	sshll.u32 s31, $0x4;
	s7 =	spop (v2sf)  }
.LBB2_2:
0x38: {  	s30 =	sadd.s32 $0x680, s13;
	s29 =	sadd.s32 $0x700, s13;
	s31 =	spop (v2sf)  }
0x39: {  	s8 =	sshll.u32 s31, $0x4;
	s31 =	sadd.s32 $0x600, s13;
	s10 =	spop (v2sf)  }
0x3a: {  	s7 =	sshll.u32 s7, $0x4;
	s8 =	sand.u32 $0x1FFFFFF0, s8;
	s4 =	spop (v2sf);
	(v2sf) =	vpush v1, $0xF  }
0x3b: {  	s7 =	sand.u32 $0x1FFFFFF0, s7;
	s10 =	sshll.u32 s10, $0x4;
	s4 =	sshll.u32 s4, $0x4  }
0x3c: {  	s7 =	sadd.s32 s3, s7;
	s4 =	sand.u32 $0x1FFFFFF0, s4;
	s5 =	spop (v2sf);
	(v2sf) =	vpush v4, $0xF  }
0x3d: {  	[hbm4b:s7+s2] =	stream.linear.scatter [tilespmem:s23], [sflag:$0x1], $0x80, $0x38;
	[tilespmem:$0x10200] =	vst v63  }
0x3e: {  	s0 =	sadd.s32 s3, s0;
	s1 =	sand.u32 $0x1FFFFFF0, s1;
	s5 =	sshll.u32 s5, $0x4  }
0x3f: {  	[hbm4b:s0+s2] =	stream.linear.scatter [tilespmem:s22], [sflag:$0x1], $0x80, $0x38;
	[tilespmem:$0x10200] =	vst v63  }
0x40: {  	s0 =	sadd.s32 s3, s1;
	s1 =	sand.u32 $0x1FFFFFF0, s5;
	s5 =	spop (v2sf);
	(v2sf) =	vpush v3, $0xF  }
0x41: {  	[hbm4b:s0+s2] =	stream.linear.scatter [tilespmem:s19], [sflag:$0x1], $0x80, $0x38;
	[tilespmem:$0x10200] =	vst v63  }
0x42: {  	s0 =	sadd.s32 s3, s8;
	s5 =	sshll.u32 s5, $0x4;
	s7 =	spop (v2sf);
	(v2sf) =	vpush v2, $0xF  }
0x43: {  	[hbm4b:s0+s2] =	stream.linear.scatter [tilespmem:s25], [sflag:$0x1], $0x80, $0x38;
	[tilespmem:$0x10200] =	vst v63  }
0x44: {  	s0 =	sand.u32 $0x1FFFFFF0, s5;
	s5 =	sshll.u32 s7, $0x4;
	s7 =	spop (v2sf)  }
0x45: {  	s0 =	sadd.s32 s3, s0;
	s5 =	sand.u32 $0x1FFFFFF0, s5;
	s7 =	sshll.u32 s7, $0x4  }
0x46: {  	[hbm4b:s0+s2] =	stream.linear.scatter [tilespmem:s18], [sflag:$0x1], $0x80, $0x38;
	(v2sf) =	vpush v0, $0xF;
	[tilespmem:$0x10200] =	vst v63  }
0x47: {  	s0 =	sadd.s32 s3, s5;
	s5 =	sand.u32 $0x1FFFFFF0, s7;
	s7 =	sand.u32 $0x1FFFFFF0, s10  }
0x48: {  	[hbm4b:s0+s2] =	stream.linear.scatter [tilespmem:s17], [sflag:$0x1], $0x80, $0x38;
	[tilespmem:$0x10200] =	vst v63  }
0x49: {  	s0 =	sadd.s32 s3, s1;
	s1 =	sadd.s32 s3, s5;
	s5 =	spop (v2sf)  }
0x4a: {  	[hbm4b:s0+s2] =	stream.linear.scatter [tilespmem:s20], [sflag:$0x1], $0x80, $0x38;
	[tilespmem:$0x10200] =	vst v63  }
0x4b: {  	s0 =	sadd.s32 s3, s4;
	s4 =	sshll.u32 s5, $0x4;
	s5 =	spop (v2sf)  }
0x4c: {  	[hbm4b:s1+s2] =	stream.linear.scatter [tilespmem:s15], [sflag:$0x1], $0x80, $0x38;
	[tilespmem:$0x10200] =	vst v63  }
0x4d: {  	s4 =	sand.u32 $0x1FFFFFF0, s4;
	s1 =	sadd.s32 s3, s28;
	s5 =	sshll.u32 s5, $0x4  }
0x4e: {  	[hbm4b:s0+s2] =	stream.linear.scatter [tilespmem:s31], [sflag:$0x1], $0x80, $0x38;
	[tilespmem:$0x10200] =	vst v63  }
0x4f: {  	s5 =	sand.u32 $0x1FFFFFF0, s5;
	s0 =	sadd.s32 s3, s7;
	s7 =	spop (v2sf)  }
0x50: {  	[hbm4b:s1+s2] =	stream.linear.scatter [tilespmem:s30], [sflag:$0x1], $0x80, $0x38;
	[tilespmem:$0x10200] =	vst v63  }
0x51: {  	s1 =	sadd.s32 s3, s5;
	s5 =	sshll.u32 s7, $0x4;
	s7 =	spop (v2sf)  }
0x52: {  	[hbm4b:s0+s2] =	stream.linear.scatter [tilespmem:s29], [sflag:$0x1], $0x80, $0x38;
	[tilespmem:$0x10200] =	vst v63  }
0x53: {  	s0 =	sadd.s32 s3, s4;
	s4 =	sand.u32 $0x1FFFFFF0, s5;
	s5 =	sshll.u32 s7, $0x4  }
0x54: {  	[hbm4b:s1+s2] =	stream.linear.scatter [tilespmem:s26], [sflag:$0x1], $0x80, $0x38;
	[tilespmem:$0x10200] =	vst v63  }
0x55: {  	s1 =	sadd.s32 s3, s4;
	s4 =	sand.u32 $0x1FFFFFF0, s5;
	s5 =	spop (v2sf)  }
0x56: {  	[hbm4b:s0+s2] =	stream.linear.scatter [tilespmem:s24], [sflag:$0x1], $0x80, $0x38;
	[tilespmem:$0x10200] =	vst v63  }
0x57: {  	p0 =	sne.s32 s14, $0x3E000;
	s0 =	sadd.s32 s3, s4;
	s4 =	sshll.u32 s5, $0x4  }
0x58: {  	[hbm4b:s1+s2] =	stream.linear.scatter [tilespmem:s21], [sflag:$0x1], $0x80, $0x38;
	[tilespmem:$0x10200] =	vst v63  }
0x59: {  	s5 =	sadd.s32 $0x980, s13;
	s4 =	sand.u32 $0x1FFFFFF0, s4;
	s1 =	sadd.s32 $0x900, s13  }
0x5a: {  	[hbm4b:s0+s2] =	stream.linear.scatter [tilespmem:s1], [sflag:$0x1], $0x80, $0x38;
	[tilespmem:$0x10200] =	vst v63  }
0x5b: {  	s0 =	sadd.s32 s3, s4;
	s1 =	smov.u32 s14;
	s14 =	sadd.s32 $0x2000, s14  }
0x5c: {  	[hbm4b:s0+s2] =	stream.linear.scatter [tilespmem:s5], [sflag:$0x1], $0x80, $0x38;
	[tilespmem:$0x10200] =	vst v63  }
0x5d: {  	v0 =	vld [tilespmem:s16+$0x0]  }
0x5e: {  	s13 =	sshra.s32 s1, $0x2  }
0x5f: {  	s19 =	sadd.s32 $0x300, s13;
	s15 =	sadd.s32 $0x580, s13;
	_ =	sdelay $0x1  }
0x60: {  	s23 =	sadd.s32 $0x200, s13;
	s22 =	sadd.s32 $0x280, s13;
	s18 =	sadd.s32 $0x400, s13  }
0x61: {  	v1 =	vsel vm1, $0x0, v0;
	v2 =	vsel vm6, $0x0, v0;
	v3 =	vsel vm9, $0x0, v0  }
0x62: {  	s17 =	sadd.s32 $0x480, s13;
	v4 =	vnsel vm0, $0x0, v0;
	v5 =	vsel vm12, $0x0, v0;
	v3 =	vxor.u32 $0x80000000, v3  }
0x63: {  	v6 =	vsel vm4, $0x0, v0;
	v1 =	vxor.u32 $0x80000000, v1;
	v5 =	vxor.u32 $0x80000000, v5;
	(xrf0) =	vmax.scan.msk.u32 $0xffff, v3  }
0x64: {  	v7 =	vsel vm3, $0x0, v0;
	v8 =	vsel vm5, $0x0, v0;
	v3 =	vsel vm2, $0x0, v0;
	(xrf0) =	vmax.scan.msk.u32 $0xffff, v1  }
0x65: {  	v1 =	vxor.u32 $0x80000000, v3;
	v3 =	vxor.u32 $0x80000000, v7;
	v7 =	vxor.u32 $0x80000000, v8  }
0x66: {  	v4 =	vxor.u32 $0x80000000, v4;
	v6 =	vxor.u32 $0x80000000, v6;
	v8 =	vsel vm7, $0x0, v0;
	(xrf0) =	vmax.scan.msk.u32 $0xffff, v1  }
0x67: {  	v9 =	vsel vm11, $0x0, v0;
	v1 =	vxor.u32 $0x80000000, v8;
	v8 =	vsel vm10, $0x0, v0;
	(xrf0) =	vmax.scan.msk.u32 $0xffff, v4  }
0x68: {  	v9 =	vxor.u32 $0x80000000, v9;
	v4 =	vsel vm8, $0x0, v0;
	v8 =	vxor.u32 $0x80000000, v8;
	(xrf0) =	vmax.scan.msk.u32 $0xffff, v3  }
0x69: {  	s25 =	sadd.s32 $0x380, s13;
	v12 =	vsel vm14, $0x0, v0;
	v3 =	vxor.u32 $0x80000000, v4;
	v4 =	vsel vm13, $0x0, v0;
	v11, _, _ =	vpop (xrf0);
	(xrf0) =	vmax.scan.msk.u32 $0xffff, v8  }
0x6a: {  	s20 =	sadd.s32 $0x500, s13;
	v4 =	vxor.u32 $0x80000000, v4;
	v8 =	vxor.u32 $0x80000000, v12;
	v10, _, _ =	vpop (xrf0);
	(xrf0) =	vmax.scan.msk.u32 $0xffff, v3;
	(v2sf) =	vpush v11, $0xF  }
0x6b: {  	v0 =	vsel vm15, $0x0, v0;
	v11 =	vxor.u32 $0x80000000, v2;
	(v2sf) =	vpush v10, $0xF;
	(xrf0) =	vmax.scan.msk.u32 $0xffff, v5  }
0x6c: {  	v0 =	vxor.u32 $0x80000000, v0;
	v3, _, _ =	vpop (xrf0);
	(xrf0) =	vmax.scan.msk.u32 $0xffff, v11  }
0x6d: {  	v2, _, _ =	vpop (xrf0);
	(v2sf) =	vpush v3, $0xF;
	(xrf0) =	vmax.scan.msk.u32 $0xffff, v6  }
0x6e: {  	(v2sf) =	vpush v2, $0xF;
	v2, _, _ =	vpop (xrf0);
	(xrf0) =	vmax.scan.msk.u32 $0xffff, v7  }
0x6f: {  	(v2sf) =	vpush v2, $0xF;
	(xrf0) =	vmax.scan.msk.u32 $0xffff, v1;
	v1, _, _ =	vpop (xrf0)  }
0x70: {  	v2, _, _ =	vpop (xrf0);
	(v2sf) =	vpush v1, $0xF;
	(xrf0) =	vmax.scan.msk.u32 $0xffff, v9  }
0x71: {  	(v2sf) =	vpush v2, $0xF;
	v1, _, _ =	vpop (xrf0);
	(xrf0) =	vmax.scan.msk.u32 $0xffff, v4  }
0x72: {  	v2, _, _ =	vpop (xrf0);
	(xrf0) =	vmax.scan.msk.u32 $0xffff, v8  }
0x73: {  	v3, _, _ =	vpop (xrf0);
	(v2sf) =	vpush v2, $0xF;
	(xrf0) =	vmax.scan.msk.u32 $0xffff, v0  }
0x74: {  	v0, _, _ =	vpop (xrf0)  }
0x75: {  	v5, _, _ =	vpop (xrf0)  }
0x76: {  	v4, _, _ =	vpop (xrf0)  }
0x77: {  	(v2sf) =	vpush v3, $0xF;
	v3, _, _ =	vpop (xrf0)  }
0x78: {  	v2, _, _ =	vpop (xrf0)  }
.Ltmp0:
0x79: {  	(v2sf) =	vpush v0, $0xF;
	s0 =	spop (v2sf);
	v0, _, _ =	vpop (xrf0);
	(pc) =	sbr.rel @p0 .LBB2_2-.Ltmp0, $4  }
0x7a: {  	s16 =	sadd.s32 $0x10, s16;
	s0 =	sshll.u32 s0, $0x4;
	s1 =	spop (v2sf)  }
0x7b: {  	s21 =	sadd.s32 $0x880, s13;
	s1 =	sshll.u32 s1, $0x4;
	s28 =	sand.u32 $0x1FFFFFF0, s0;
	(v2sf) =	vpush v5, $0xF  }
0x7c: {  	s24 =	sadd.s32 $0x800, s13;
	s0 =	sand.u32 $0x1FFFFFF0, s1;
	s1 =	spop (v2sf)  }
0x7d: {  	s26 =	sadd.s32 $0x780, s13;
	s1 =	sshll.u32 s1, $0x4;
	s7 =	spop (v2sf)  }
0x7e: {  	s4 =	spop (v2sf)  }
0x7f: {  	s5 =	sadd.s32 $0x680, s13;
	s8 =	sadd.s32 $0x700, s13;
	s7 =	sshll.u32 s7, $0x4  }
0x80: {  	s10 =	sadd.s32 $0x600, s13;
	(v2sf) =	vpush v1, $0xF;
	s14 =	spop (v2sf);
	s7 =	sand.u32 $0x1FFFFFF0, s7  }
0x81: {  	s1 =	sand.u32 $0x1FFFFFF0, s1;
	s16 =	spop (v2sf);
	s7 =	sadd.s32 s3, s7  }
0x82: {  	(v2sf) =	vpush v4, $0xF;
	[hbm4b:s7+s2] =	stream.linear.scatter [tilespmem:s23], [sflag:$0x1], $0x80, $0x38;
	[tilespmem:$0x10200] =	vst v63  }
0x83: {  	s0 =	sadd.s32 s3, s0;
	s4 =	sshll.u32 s4, $0x4;
	s1 =	sadd.s32 s3, s1  }
0x84: {  	[hbm4b:s0+s2] =	stream.linear.scatter [tilespmem:s22], [sflag:$0x1], $0x80, $0x38;
	[tilespmem:$0x10200] =	vst v63  }
0x85: {  	s4 =	sand.u32 $0x1FFFFFF0, s4;
	s14 =	sshll.u32 s14, $0x4;
	s7 =	spop (v2sf)  }
0x86: {  	[hbm4b:s1+s2] =	stream.linear.scatter [tilespmem:s19], [sflag:$0x1], $0x80, $0x38;
	[tilespmem:$0x10200] =	vst v63  }
0x87: {  	s16 =	sshll.u32 s16, $0x4;
	s29 =	sadd.s32 s3, s4;
	s23 =	spop (v2sf)  }
0x88: {  	(v2sf) =	vpush v3, $0xF;
	[hbm4b:s29+s2] =	stream.linear.scatter [tilespmem:s25], [sflag:$0x1], $0x80, $0x38;
	[tilespmem:$0x10200] =	vst v63  }
0x89: {  	s0 =	sand.u32 $0x1FFFFFF0, s16;
	s30 =	sshll.u32 s23, $0x4;
	s31 =	spop (v2sf)  }
0x8a: {  	s19 =	sshll.u32 s7, $0x4;
	(v2sf) =	vpush v2, $0xF;
	s4 =	sand.u32 $0x1FFFFFF0, s30;
	s22 =	sshll.u32 s31, $0x4  }
0x8b: {  	s4 =	sadd.s32 s3, s4;
	s23 =	spop (v2sf);
	s7 =	sand.u32 $0x1FFFFFF0, s22  }
0x8c: {  	[hbm4b:s4+s2] =	stream.linear.scatter [tilespmem:s18], [sflag:$0x1], $0x80, $0x38;
	(v2sf) =	vpush v0, $0xF;
	[tilespmem:$0x10200] =	vst v63  }
0x8d: {  	s1 =	sand.u32 $0x1FFFFFF0, s19;
	s25 =	sshll.u32 s23, $0x4;
	s7 =	sadd.s32 s3, s7  }
0x8e: {  	[hbm4b:s7+s2] =	stream.linear.scatter [tilespmem:s17], [sflag:$0x1], $0x80, $0x38;
	[tilespmem:$0x10200] =	vst v63  }
0x8f: {  	s1 =	sadd.s32 s3, s1;
	s4 =	sand.u32 $0x1FFFFFF0, s25;
	s29 =	spop (v2sf)  }
0x90: {  	[hbm4b:s1+s2] =	stream.linear.scatter [tilespmem:s20], [sflag:$0x1], $0x80, $0x38;
	[tilespmem:$0x10200] =	vst v63  }
0x91: {  	s30 =	sand.u32 $0x1FFFFFF0, s14;
	s4 =	sadd.s32 s3, s4;
	s31 =	spop (v2sf)  }
0x92: {  	[hbm4b:s4+s2] =	stream.linear.scatter [tilespmem:s15], [sflag:$0x1], $0x80, $0x38;
	[tilespmem:$0x10200] =	vst v63  }
0x93: {  	s0 =	sadd.s32 s3, s0;
	s18 =	sadd.s32 s3, s30;
	s16 =	sshll.u32 s31, $0x4  }
0x94: {  	[hbm4b:s0+s2] =	stream.linear.scatter [tilespmem:s10], [sflag:$0x1], $0x80, $0x38;
	[tilespmem:$0x10200] =	vst v63  }
0x95: {  	s17 =	sadd.s32 s3, s28;
	s15 =	sshll.u32 s29, $0x4;
	s7 =	sand.u32 $0x1FFFFFF0, s16  }
0x96: {  	[hbm4b:s17+s2] =	stream.linear.scatter [tilespmem:s5], [sflag:$0x1], $0x80, $0x38;
	[tilespmem:$0x10200] =	vst v63  }
0x97: {  	s4 =	sand.u32 $0x1FFFFFF0, s15;
	s20 =	sadd.s32 s3, s7;
	s19 =	spop (v2sf)  }
0x98: {  	[hbm4b:s18+s2] =	stream.linear.scatter [tilespmem:s8], [sflag:$0x1], $0x80, $0x38;
	[tilespmem:$0x10200] =	vst v63  }
0x99: {  	s4 =	sadd.s32 s3, s4;
	s22 =	sshll.u32 s19, $0x4;
	s23 =	spop (v2sf)  }
0x9a: {  	[hbm4b:s20+s2] =	stream.linear.scatter [tilespmem:s26], [sflag:$0x1], $0x80, $0x38;
	[tilespmem:$0x10200] =	vst v63  }
0x9b: {  	s0 =	sand.u32 $0x1FFFFFF0, s22;
	s1 =	sshll.u32 s23, $0x4;
	s25 =	spop (v2sf)  }
0x9c: {  	[hbm4b:s4+s2] =	stream.linear.scatter [tilespmem:s24], [sflag:$0x1], $0x80, $0x38;
	[tilespmem:$0x10200] =	vst v63  }
0x9d: {  	s0 =	sadd.s32 s3, s0;
	s1 =	sand.u32 $0x1FFFFFF0, s1;
	s26 =	sshll.u32 s25, $0x4  }
0x9e: {  	[hbm4b:s0+s2] =	stream.linear.scatter [tilespmem:s21], [sflag:$0x1], $0x80, $0x38;
	[tilespmem:$0x10200] =	vst v63  }
0x9f: {  	s29 =	sadd.s32 $0x900, s13;
	s28 =	sadd.s32 s3, s1;
	s4 =	sand.u32 $0x1FFFFFF0, s26  }
0xa0: {  	[hbm4b:s28+s2] =	stream.linear.scatter [tilespmem:s29], [sflag:$0x1], $0x80, $0x38;
	[tilespmem:$0x10200] =	vst v63  }
0xa1: {  	s30 =	sadd.s32 $0x980, s13;
	s31 =	sadd.s32 s3, s4  }
0xa2: {  	[hbm4b:s31+s2] =	stream.linear.scatter [tilespmem:s30], [sflag:$0x1], $0x80, $0x38;
	[tilespmem:$0x10200] =	vst v63  }
0xa3: {  	_ =	swait.ge [sflag:s11], $0x80  }
0xa4: {  	s0 =	simm.s32 $0x1FF;
	[sflag:s11] =	ssyncset.done $0x0  }
.LBB2_4:
0xa5: {  	p0 =	sne.s32 s0, $0x1;
	s0 =	sadd.s32 $0xFFFFFFFF, s0;
	[sflag:s11] =	ssyncadd.s32 $0xFFFFFF80  }
.Ltmp1:
0xa6: {  	(pc) =	sbr.rel @p0 .LBB2_4-.Ltmp1, $3  }
0xa7: {  	_ =	sdelay $0x1  }
0xa8: {  	_ =	swait.ge [sflag:s11], $0x80  }
0xa9: {  	[sflag:s11] =	ssyncset.done $0x0  }
0xaa: {  	s12 =	sadd.s32 $0x1, s12  }
0xab: {  	p0 =	sne.s32 s12, s6  }
.Ltmp2:
0xac: {  	_ = 	snop;
	(pc) =	sbr.rel @p0 .LBB2_1-.Ltmp2, $2  }
0xad: {  	_ =	sdelay $0x2  }
0xae: {  	[sflag:s11] =	ssyncadd.s32 $0xFFFFFF80  }
0xaf: {  	_ =	sfence.sel $0x180000  }
0xb0: {  	[bflag:$0x0] =	sbarrier.arrive $0xFFFF  }
0xb1: {  	_ =	strace $0x9000004A  }
0xb2: {  	s0 =	stileid.u32;
	[bflag:$0x2] =	sbarrier.arrive $0xFFFF  }
0xb3: {  	p0 =	sne.s32 s0, $0x0;
	s0 =	rddreg [dreg:$0x2]  }
0xb4: {  	s0 =	sadd.s32 @!p0 $0x100000, s0  }
0xb5: {  	[sflag:s0] =	ssyncadd.tile.s32 @!p0 $0x1;
	_ =	shalt  }
.Lfunc_end2:
_tile_overlayer_lowered:
.L_overlay_start_2:
0xb6: {  	(tag) =	ssettag $0x2  }
0xb7: {  	s0 =	rddreg [dreg:$0x0];
	s2 =	stileid.u32  }
0xb8: {  	s1 =	rddreg [dreg:$0x1];
	p0 =	sne.s32 s2, $0x0  }
0xb9: {  	s3 =	rddreg [dreg:$0x2];
	[bflag:$0x3] =	sbarrier.arrive $0xFFFF;
	s2 =	simm.s32 @!p0 $0x1C02  }
0xba: {  	[timem:s3], [sflag:s2] =	dma.local @!p0 [hbm:s0], s1  }
0xbb: {  	s0 =	simm.s32 @!p0 $0x2  }
0xbc: {  	_ =	swait.ge @!p0 [sflag:s0], s1  }
0xbd: {  	s1 =	ssub.s32 @!p0 $0x0, s1;
	[sflag:s0] =	ssyncset.done @!p0 $0x0  }
0xbe: {  	[sflag:s0] =	ssyncadd.s32 @!p0 s1  }
0xbf: {  	[bflag:$0x3] =	sbarrier.arrive $0xFFFF  }
0xc0: {  	_ =	shalt  }

</sc_bundles>
